<compile_context>
chip_gen: v7x
topology: tpu7x:2x2x1
jax: 0.10.2.dev20260603
libtpu: 0.0.44.dev20260713+nightly
codegen_flags: <defaults>
</compile_context>

<pallas_src>
import functools

import jax
import jax.numpy as jnp
from jax import lax
from jax.experimental import pallas as pl
from jax.experimental.pallas import tpu as pltpu
from jax.experimental.pallas import tpu_sc as plsc


_LANES = 16
_CHUNK = 128


def _sc_agg_kernel_factory(N, E_pad, D, NC, NS):
    NW = NC * NS
    chunks_per_worker = E_pad // (NW * _CHUNK)
    rows_per_tile = -(-(N + 1) // (NS * _CHUNK)) * _CHUNK
    NP = NS * rows_per_tile
    out_chunks = rows_per_tile // _CHUNK

    mesh = plsc.VectorSubcoreMesh(
        core_axis_name="c", subcore_axis_name="s",
        num_cores=NC, num_subcores=NS)

    @functools.partial(
        pl.kernel,
        mesh=mesh,
        out_type=jax.ShapeDtypeStruct((NC, NP, D), jnp.float32),
        scratch_types=[
            pltpu.MemorySpace.VMEM_SHARED((NP, D), jnp.float32),
            pltpu.MemorySpace.VMEM((_CHUNK,), jnp.int32),
            pltpu.MemorySpace.VMEM((_CHUNK,), jnp.int32),
            pltpu.MemorySpace.VMEM((_CHUNK,), jnp.int32),
            pltpu.MemorySpace.VMEM((_CHUNK, D), jnp.float32),
            pltpu.MemorySpace.VMEM((_CHUNK, D), jnp.float32),
            pltpu.SemaphoreType.DMA,
            pltpu.SemaphoreType.DMA,
        ],
    )
    def sc_agg(x_hbm, rel_hbm, src_hbm, dst_hbm, et_hbm, out_hbm,
               acc_sh, src_v, dst_v, et_v, xrows_v, rrows_v,
               sem1, sem2):
        c = lax.axis_index("c")
        s = lax.axis_index("s")
        wid = s * NC + c

        zeros16 = jnp.zeros((_LANES,), jnp.float32)

        def zrow(j, _):
            for k in range(D // _LANES):
                xrows_v[j, pl.ds(k * _LANES, _LANES)] = zeros16
            return 0

        lax.fori_loop(0, _CHUNK, zrow, 0)
        row0 = s * rows_per_tile
        for cc in range(out_chunks):
            pltpu.sync_copy(xrows_v, acc_sh.at[pl.ds(row0 + cc * _CHUNK, _CHUNK)])
        plsc.subcore_barrier()

        def body(i, _):
            base = (wid * chunks_per_worker + i) * _CHUNK
            pltpu.sync_copy(src_hbm.at[pl.ds(base, _CHUNK)], src_v)
            pltpu.sync_copy(et_hbm.at[pl.ds(base, _CHUNK)], et_v)
            pltpu.sync_copy(dst_hbm.at[pl.ds(base, _CHUNK)], dst_v)
            g1 = pltpu.async_copy(x_hbm.at[src_v], xrows_v, sem1)
            g2 = pltpu.async_copy(rel_hbm.at[et_v], rrows_v, sem2)
            g1.wait()
            g2.wait()

            def mrow(j, _):
                for k in range(D // _LANES):
                    sl = pl.ds(k * _LANES, _LANES)
                    xrows_v[j, sl] = xrows_v[j, sl] * rrows_v[j, sl]
                return 0

            lax.fori_loop(0, _CHUNK, mrow, 0)
            pltpu.sync_copy(xrows_v, acc_sh.at[dst_v], add=True)
            return 0

        lax.fori_loop(0, chunks_per_worker, body, 0)
        plsc.subcore_barrier()

        for cc in range(out_chunks):
            r = row0 + cc * _CHUNK
            pltpu.sync_copy(acc_sh.at[pl.ds(r, _CHUNK)], xrows_v)
            pltpu.sync_copy(xrows_v, out_hbm.at[c, pl.ds(r, _CHUNK)])

    return sc_agg, NP


def _tc_finalize(p0, p1, x, norm, w_n, w_l, block_rows=512):
    N, D = x.shape
    grid = (-(-N // block_rows),)

    def body(p0_ref, p1_ref, x_ref, norm_ref, wn_ref, wl_ref, out_ref):
        s = p0_ref[...] + p1_ref[...]
        agg = jnp.dot(s, wn_ref[...], preferred_element_type=jnp.float32)
        loop = jnp.dot(x_ref[...], wl_ref[...], preferred_element_type=jnp.float32)
        out_ref[...] = agg * norm_ref[...] + loop

    return pl.pallas_call(
        body,
        grid=grid,
        in_specs=[
            pl.BlockSpec((block_rows, D), lambda i: (i, 0)),
            pl.BlockSpec((block_rows, D), lambda i: (i, 0)),
            pl.BlockSpec((block_rows, D), lambda i: (i, 0)),
            pl.BlockSpec((block_rows, 1), lambda i: (i, 0)),
            pl.BlockSpec((D, D), lambda i: (0, 0)),
            pl.BlockSpec((D, D), lambda i: (0, 0)),
        ],
        out_specs=pl.BlockSpec((block_rows, D), lambda i: (i, 0)),
        out_shape=jax.ShapeDtypeStruct((N, D), jnp.float32),
    )(p0, p1, x, norm, w_n, w_l)


def kernel(x, norm, prev_h, emb_rel, edge_index, edge_type, weight_neighbor,
           loop_weight):
    N, D = x.shape
    E = edge_index.shape[1]
    NC, NS = 2, 16
    NW = NC * NS

    E_pad = -(-E // (NW * _CHUNK)) * (NW * _CHUNK)
    pad = E_pad - E
    src = edge_index[0]
    dst = edge_index[1]
    et = edge_type
    if pad:
        src = jnp.concatenate([src, jnp.zeros((pad,), jnp.int32)])
        dst = jnp.concatenate([dst, jnp.full((pad,), N, jnp.int32)])
        et = jnp.concatenate([et, jnp.zeros((pad,), jnp.int32)])

    sc_agg, NP = _sc_agg_kernel_factory(N, E_pad, D, NC, NS)
    partials = sc_agg(x, emb_rel, src, dst, et)
    p0 = partials[0, :N, :]
    p1 = partials[1, :N, :]
    return _tc_finalize(p0, p1, x, norm, weight_neighbor, loop_weight)

# --- scband reference (transcript-rebuilt; emitter-appended) ---
"""Pipeline reference for scband-comp-gcnlayer2-12180527251910 (READ-ONLY COPY).

The authoritative reference and input builder live on the scoring server;
editing this copy changes nothing except your own understanding.
"""

import jax, jax.numpy as jnp
import numpy as np


def setup_inputs(seed: int = 0) -> dict:
    key = jax.random.key(seed)
    ks = jax.random.split(key, 8)
    N, E, D, R = 10000, 320000, 128, 200
    h = jax.random.normal(ks[0], (N, D), dtype=jnp.float32)
    norm = jax.random.uniform(ks[1], (N, 1), dtype=jnp.float32)
    prev_h = jnp.zeros((0,), dtype=jnp.float32)  # empty -> skip_connect branch disabled
    emb_rel = jax.random.normal(ks[2], (R, D), dtype=jnp.float32)
    edge_index = jax.random.randint(ks[3], (2, E), 0, N, dtype=jnp.int32)
    edge_type = jax.random.randint(ks[4], (E,), 0, R, dtype=jnp.int32)
    # learned parameters (xavier_uniform with relu gain)
    gain = float(np.sqrt(2.0))
    bound = gain * float(np.sqrt(6.0 / (D + D)))
    weight_neighbor = jax.random.uniform(ks[5], (D, D), dtype=jnp.float32, minval=-bound, maxval=bound)
    loop_weight = jax.random.uniform(ks[6], (D, D), dtype=jnp.float32, minval=-bound, maxval=bound)
    return {
        'x': h,
        'norm': norm,
        'prev_h': prev_h,
        'emb_rel': emb_rel,
        'edge_index': edge_index,
        'edge_type': edge_type,
        'weight_neighbor': weight_neighbor,
        'loop_weight': loop_weight,
    }


def reference(x, norm, prev_h, emb_rel, edge_index, edge_type, weight_neighbor, loop_weight):
    # self_loop branch: loop_message = h @ loop_weight
    loop_message = x @ loop_weight
    # message function: msg = (h[src] * rel_emb[type]) @ weight_neighbor  (comp='mult')
    src = edge_index[0]
    dst = edge_index[1]
    relation = jnp.take(emb_rel, edge_type, axis=0)
    node = jnp.take(x, src, axis=0)
    msg = (node * relation) @ weight_neighbor
    # fn.sum aggregation into destination nodes
    agg = jax.ops.segment_sum(msg, dst, num_segments=x.shape[0])
    # apply_func: h = h * norm
    node_repr = agg * norm
    # skip_connect=False, prev_h empty -> only self-loop add
    node_repr = node_repr + loop_message
    # activation=None, dropout=None
    return node_repr

if __name__ == "__main__":
    import jax
    _d = setup_inputs()
    print(jax.jit(kernel)(*tuple(_d.values())))

</pallas_src>

<mosaic_0001>
#map = affine_map<(d0, d1) -> (0, 0)>
#map1 = affine_map<(d0, d1) -> (0)>
#map2 = affine_map<(d0, d1) -> (0, 0, 0)>
module attributes {stable_mosaic.version = 14 : i64} {
  func.func @sc_agg(%arg0: i32, %arg1: i32, %arg2: memref<10000x128xf32, #tpu.memory_space<hbm>>, %arg3: memref<200x128xf32, #tpu.memory_space<hbm>>, %arg4: memref<323584xi32, #tpu.memory_space<hbm>>, %arg5: memref<323584xi32, #tpu.memory_space<hbm>>, %arg6: memref<323584xi32, #tpu.memory_space<hbm>>, %arg7: memref<2x10240x128xf32, #tpu.memory_space<hbm>>, %arg8: memref<10240x128xf32, #tpu.memory_space<vmem_shared>>, %arg9: memref<128xi32, #tpu.memory_space<vmem>>, %arg10: memref<128xi32, #tpu.memory_space<vmem>>, %arg11: memref<128xi32, #tpu.memory_space<vmem>>, %arg12: memref<128x128xf32, #tpu.memory_space<vmem>>, %arg13: memref<128x128xf32, #tpu.memory_space<vmem>>, %arg14: memref<!tpu.dma_semaphore, #tpu.memory_space<semaphore_mem>>, %arg15: memref<!tpu.dma_semaphore, #tpu.memory_space<semaphore_mem>>) attributes {dimension_semantics = [#tpu.dimension_semantics<core_parallel>, #tpu.dimension_semantics<subcore_parallel>], iteration_bounds = array<i64: 2, 16>, scalar_prefetch = 0 : i64, scratch_operands = 8 : i64, tpu.core_type = #tpu.core_type<sc_vector_subcore>, window_params = [{transform_indices = #map}, {transform_indices = #map}, {transform_indices = #map1}, {transform_indices = #map1}, {transform_indices = #map1}, {transform_indices = #map2}]} {
    %mul3A = arith.constant 2 : i32
    %mul3A_0 = arith.muli %arg1, %mul3A : i32
    %add3A = arith.addi %mul3A_0, %arg0 : i32
    %broadcast_in_dim3A = arith.constant 0.000000e+00 : f32
    %broadcast_in_dim3A_1 = vector.broadcast %broadcast_in_dim3A : f32 to vector<16xf32>
    %scan3A = arith.constant 0 : i32
    %scan3A_2 = arith.constant 0 : i32
    %scan3A_3 = arith.constant 128 : i32
    %scan3A_4 = arith.addi %scan3A_2, %scan3A_3 : i32
    %scan3A_5 = arith.constant 1 : i32
    %scan3A_6 = scf.for %scan3A_38 = %scan3A_2 to %scan3A_4 step %scan3A_5 iter_args(%scan3A_39 = %scan3A) -> (i32)  : i32 {
      %swap3A = arith.index_cast %scan3A_38 : i32 to index
      %swap3A_40 = arith.constant 0 : index
      %swap3A_41 = tpu.vector_load %arg12[%swap3A, %swap3A_40] {strides = array<i32>} : memref<128x128xf32, #tpu.memory_space<vmem>>, vector<1x16xf32>,
      %swap3A_42 = vector.shape_cast %swap3A_41 : vector<1x16xf32> to vector<16xf32>
      %swap3A_43 = vector.shape_cast %broadcast_in_dim3A_1 : vector<16xf32> to vector<1x16xf32>
      tpu.vector_store %arg12[%swap3A, %swap3A_40], %swap3A_43 {strides = array<i32>} : memref<128x128xf32, #tpu.memory_space<vmem>>, vector<1x16xf32>,
      %swap3A_44 = arith.index_cast %scan3A_38 : i32 to index
      %swap3A_45 = arith.constant 16 : index
      %swap3A_46 = tpu.vector_load %arg12[%swap3A_44, %swap3A_45] {strides = array<i32>} : memref<128x128xf32, #tpu.memory_space<vmem>>, vector<1x16xf32>,
      %swap3A_47 = vector.shape_cast %swap3A_46 : vector<1x16xf32> to vector<16xf32>
      %swap3A_48 = vector.shape_cast %broadcast_in_dim3A_1 : vector<16xf32> to vector<1x16xf32>
      tpu.vector_store %arg12[%swap3A_44, %swap3A_45], %swap3A_48 {strides = array<i32>} : memref<128x128xf32, #tpu.memory_space<vmem>>, vector<1x16xf32>,
      %swap3A_49 = arith.index_cast %scan3A_38 : i32 to index
      %swap3A_50 = arith.constant 32 : index
      %swap3A_51 = tpu.vector_load %arg12[%swap3A_49, %swap3A_50] {strides = array<i32>} : memref<128x128xf32, #tpu.memory_space<vmem>>, vector<1x16xf32>,
      %swap3A_52 = vector.shape_cast %swap3A_51 : vector<1x16xf32> to vector<16xf32>
      %swap3A_53 = vector.shape_cast %broadcast_in_dim3A_1 : vector<16xf32> to vector<1x16xf32>
      tpu.vector_store %arg12[%swap3A_49, %swap3A_50], %swap3A_53 {strides = array<i32>} : memref<128x128xf32, #tpu.memory_space<vmem>>, vector<1x16xf32>,
      %swap3A_54 = arith.index_cast %scan3A_38 : i32 to index
      %swap3A_55 = arith.constant 48 : index
      %swap3A_56 = tpu.vector_load %arg12[%swap3A_54, %swap3A_55] {strides = array<i32>} : memref<128x128xf32, #tpu.memory_space<vmem>>, vector<1x16xf32>,
      %swap3A_57 = vector.shape_cast %swap3A_56 : vector<1x16xf32> to vector<16xf32>
      %swap3A_58 = vector.shape_cast %broadcast_in_dim3A_1 : vector<16xf32> to vector<1x16xf32>
      tpu.vector_store %arg12[%swap3A_54, %swap3A_55], %swap3A_58 {strides = array<i32>} : memref<128x128xf32, #tpu.memory_space<vmem>>, vector<1x16xf32>,
      %swap3A_59 = arith.index_cast %scan3A_38 : i32 to index
      %swap3A_60 = arith.constant 64 : index
      %swap3A_61 = tpu.vector_load %arg12[%swap3A_59, %swap3A_60] {strides = array<i32>} : memref<128x128xf32, #tpu.memory_space<vmem>>, vector<1x16xf32>,
      %swap3A_62 = vector.shape_cast %swap3A_61 : vector<1x16xf32> to vector<16xf32>
      %swap3A_63 = vector.shape_cast %broadcast_in_dim3A_1 : vector<16xf32> to vector<1x16xf32>
      tpu.vector_store %arg12[%swap3A_59, %swap3A_60], %swap3A_63 {strides = array<i32>} : memref<128x128xf32, #tpu.memory_space<vmem>>, vector<1x16xf32>,
      %swap3A_64 = arith.index_cast %scan3A_38 : i32 to index
      %swap3A_65 = arith.constant 80 : index
      %swap3A_66 = tpu.vector_load %arg12[%swap3A_64, %swap3A_65] {strides = array<i32>} : memref<128x128xf32, #tpu.memory_space<vmem>>, vector<1x16xf32>,
      %swap3A_67 = vector.shape_cast %swap3A_66 : vector<1x16xf32> to vector<16xf32>
      %swap3A_68 = vector.shape_cast %broadcast_in_dim3A_1 : vector<16xf32> to vector<1x16xf32>
      tpu.vector_store %arg12[%swap3A_64, %swap3A_65], %swap3A_68 {strides = array<i32>} : memref<128x128xf32, #tpu.memory_space<vmem>>, vector<1x16xf32>,
      %swap3A_69 = arith.index_cast %scan3A_38 : i32 to index
      %swap3A_70 = arith.constant 96 : index
      %swap3A_71 = tpu.vector_load %arg12[%swap3A_69, %swap3A_70] {strides = array<i32>} : memref<128x128xf32, #tpu.memory_space<vmem>>, vector<1x16xf32>,
      %swap3A_72 = vector.shape_cast %swap3A_71 : vector<1x16xf32> to vector<16xf32>
      %swap3A_73 = vector.shape_cast %broadcast_in_dim3A_1 : vector<16xf32> to vector<1x16xf32>
      tpu.vector_store %arg12[%swap3A_69, %swap3A_70], %swap3A_73 {strides = array<i32>} : memref<128x128xf32, #tpu.memory_space<vmem>>, vector<1x16xf32>,
      %swap3A_74 = arith.index_cast %scan3A_38 : i32 to index
      %swap3A_75 = arith.constant 112 : index
      %swap3A_76 = tpu.vector_load %arg12[%swap3A_74, %swap3A_75] {strides = array<i32>} : memref<128x128xf32, #tpu.memory_space<vmem>>, vector<1x16xf32>,
      %swap3A_77 = vector.shape_cast %swap3A_76 : vector<1x16xf32> to vector<16xf32>
      %swap3A_78 = vector.shape_cast %broadcast_in_dim3A_1 : vector<16xf32> to vector<1x16xf32>
      tpu.vector_store %arg12[%swap3A_74, %swap3A_75], %swap3A_78 {strides = array<i32>} : memref<128x128xf32, #tpu.memory_space<vmem>>, vector<1x16xf32>,
      %scan3A_79 = arith.constant 0 : i32
      scf.yield %scan3A_79 : i32
    }
    %scan3A_7 = arith.constant 128 : i32
    %mul3A_8 = arith.constant 640 : i32
    %mul3A_9 = arith.muli %arg1, %mul3A_8 : i32
    %add3A_10 = arith.constant 0 : i32
    %add3A_11 = arith.addi %mul3A_9, %add3A_10 : i32
    "tpu.region"() ({
      %run_scoped3A = tpu.sem_alloc : memref<!tpu.dma_semaphore, #tpu.memory_space<semaphore_mem>>
      %dma_start3A = arith.constant 0 : i32
      %dma_start3A_38 = tpu.memref_slice %arg8[%add3A_11, %dma_start3A] : memref<10240x128xf32, #tpu.memory_space<vmem_shared>> -> memref<128x128xf32, #tpu.memory_space<vmem_shared>>
      %dma_start3A_39 = arith.constant 0 : i32
      %dma_start3A_40 = tpu.memref_slice %arg8[%add3A_11, %dma_start3A_39] : memref<10240x128xf32, #tpu.memory_space<vmem_shared>> -> memref<128x128xf32, #tpu.memory_space<vmem_shared>>
      tpu.enqueue_dma source(%arg12 : memref<128x128xf32, #tpu.memory_space<vmem>>) target(%dma_start3A_40 : memref<128x128xf32, #tpu.memory_space<vmem_shared>>) target_semaphore(%run_scoped3A : memref<!tpu.dma_semaphore, #tpu.memory_space<semaphore_mem>>)
      %dma_wait3A = arith.constant 0 : i32
      %dma_wait3A_41 = tpu.memref_slice %arg8[%add3A_11, %dma_wait3A] : memref<10240x128xf32, #tpu.memory_space<vmem_shared>> -> memref<128x128xf32, #tpu.memory_space<vmem_shared>>
      %dma_wait3A_42 = arith.constant 0 : i32
      %dma_wait3A_43 = tpu.memref_slice %arg8[%add3A_11, %dma_wait3A_42] : memref<10240x128xf32, #tpu.memory_space<vmem_shared>> -> memref<128x128xf32, #tpu.memory_space<vmem_shared>>
      tpu.wait_dma2 semaphore(%run_scoped3A : memref<!tpu.dma_semaphore, #tpu.memory_space<semaphore_mem>>) src(%arg12 : memref<128x128xf32, #tpu.memory_space<vmem>>) dst(%dma_wait3A_43 : memref<128x128xf32, #tpu.memory_space<vmem_shared>>)
      tpu.yield
    }) : () -> ()
    %add3A_12 = arith.constant 128 : i32
    %add3A_13 = arith.addi %mul3A_9, %add3A_12 : i32
    "tpu.region"() ({
      %run_scoped3A = tpu.sem_alloc : memref<!tpu.dma_semaphore, #tpu.memory_space<semaphore_mem>>
      %dma_start3A = arith.constant 0 : i32
      %dma_start3A_38 = tpu.memref_slice %arg8[%add3A_13, %dma_start3A] : memref<10240x128xf32, #tpu.memory_space<vmem_shared>> -> memref<128x128xf32, #tpu.memory_space<vmem_shared>>
      %dma_start3A_39 = arith.constant 0 : i32
      %dma_start3A_40 = tpu.memref_slice %arg8[%add3A_13, %dma_start3A_39] : memref<10240x128xf32, #tpu.memory_space<vmem_shared>> -> memref<128x128xf32, #tpu.memory_space<vmem_shared>>
      tpu.enqueue_dma source(%arg12 : memref<128x128xf32, #tpu.memory_space<vmem>>) target(%dma_start3A_40 : memref<128x128xf32, #tpu.memory_space<vmem_shared>>) target_semaphore(%run_scoped3A : memref<!tpu.dma_semaphore, #tpu.memory_space<semaphore_mem>>)
      %dma_wait3A = arith.constant 0 : i32
      %dma_wait3A_41 = tpu.memref_slice %arg8[%add3A_13, %dma_wait3A] : memref<10240x128xf32, #tpu.memory_space<vmem_shared>> -> memref<128x128xf32, #tpu.memory_space<vmem_shared>>
      %dma_wait3A_42 = arith.constant 0 : i32
      %dma_wait3A_43 = tpu.memref_slice %arg8[%add3A_13, %dma_wait3A_42] : memref<10240x128xf32, #tpu.memory_space<vmem_shared>> -> memref<128x128xf32, #tpu.memory_space<vmem_shared>>
      tpu.wait_dma2 semaphore(%run_scoped3A : memref<!tpu.dma_semaphore, #tpu.memory_space<semaphore_mem>>) src(%arg12 : memref<128x128xf32, #tpu.memory_space<vmem>>) dst(%dma_wait3A_43 : memref<128x128xf32, #tpu.memory_space<vmem_shared>>)
      tpu.yield
    }) : () -> ()
    %add3A_14 = arith.constant 256 : i32
    %add3A_15 = arith.addi %mul3A_9, %add3A_14 : i32
    "tpu.region"() ({
      %run_scoped3A = tpu.sem_alloc : memref<!tpu.dma_semaphore, #tpu.memory_space<semaphore_mem>>
      %dma_start3A = arith.constant 0 : i32
      %dma_start3A_38 = tpu.memref_slice %arg8[%add3A_15, %dma_start3A] : memref<10240x128xf32, #tpu.memory_space<vmem_shared>> -> memref<128x128xf32, #tpu.memory_space<vmem_shared>>
      %dma_start3A_39 = arith.constant 0 : i32
      %dma_start3A_40 = tpu.memref_slice %arg8[%add3A_15, %dma_start3A_39] : memref<10240x128xf32, #tpu.memory_space<vmem_shared>> -> memref<128x128xf32, #tpu.memory_space<vmem_shared>>
      tpu.enqueue_dma source(%arg12 : memref<128x128xf32, #tpu.memory_space<vmem>>) target(%dma_start3A_40 : memref<128x128xf32, #tpu.memory_space<vmem_shared>>) target_semaphore(%run_scoped3A : memref<!tpu.dma_semaphore, #tpu.memory_space<semaphore_mem>>)
      %dma_wait3A = arith.constant 0 : i32
      %dma_wait3A_41 = tpu.memref_slice %arg8[%add3A_15, %dma_wait3A] : memref<10240x128xf32, #tpu.memory_space<vmem_shared>> -> memref<128x128xf32, #tpu.memory_space<vmem_shared>>
      %dma_wait3A_42 = arith.constant 0 : i32
      %dma_wait3A_43 = tpu.memref_slice %arg8[%add3A_15, %dma_wait3A_42] : memref<10240x128xf32, #tpu.memory_space<vmem_shared>> -> memref<128x128xf32, #tpu.memory_space<vmem_shared>>
      tpu.wait_dma2 semaphore(%run_scoped3A : memref<!tpu.dma_semaphore, #tpu.memory_space<semaphore_mem>>) src(%arg12 : memref<128x128xf32, #tpu.memory_space<vmem>>) dst(%dma_wait3A_43 : memref<128x128xf32, #tpu.memory_space<vmem_shared>>)
      tpu.yield
    }) : () -> ()
    %add3A_16 = arith.constant 384 : i32
    %add3A_17 = arith.addi %mul3A_9, %add3A_16 : i32
    "tpu.region"() ({
      %run_scoped3A = tpu.sem_alloc : memref<!tpu.dma_semaphore, #tpu.memory_space<semaphore_mem>>
      %dma_start3A = arith.constant 0 : i32
      %dma_start3A_38 = tpu.memref_slice %arg8[%add3A_17, %dma_start3A] : memref<10240x128xf32, #tpu.memory_space<vmem_shared>> -> memref<128x128xf32, #tpu.memory_space<vmem_shared>>
      %dma_start3A_39 = arith.constant 0 : i32
      %dma_start3A_40 = tpu.memref_slice %arg8[%add3A_17, %dma_start3A_39] : memref<10240x128xf32, #tpu.memory_space<vmem_shared>> -> memref<128x128xf32, #tpu.memory_space<vmem_shared>>
      tpu.enqueue_dma source(%arg12 : memref<128x128xf32, #tpu.memory_space<vmem>>) target(%dma_start3A_40 : memref<128x128xf32, #tpu.memory_space<vmem_shared>>) target_semaphore(%run_scoped3A : memref<!tpu.dma_semaphore, #tpu.memory_space<semaphore_mem>>)
      %dma_wait3A = arith.constant 0 : i32
      %dma_wait3A_41 = tpu.memref_slice %arg8[%add3A_17, %dma_wait3A] : memref<10240x128xf32, #tpu.memory_space<vmem_shared>> -> memref<128x128xf32, #tpu.memory_space<vmem_shared>>
      %dma_wait3A_42 = arith.constant 0 : i32
      %dma_wait3A_43 = tpu.memref_slice %arg8[%add3A_17, %dma_wait3A_42] : memref<10240x128xf32, #tpu.memory_space<vmem_shared>> -> memref<128x128xf32, #tpu.memory_space<vmem_shared>>
      tpu.wait_dma2 semaphore(%run_scoped3A : memref<!tpu.dma_semaphore, #tpu.memory_space<semaphore_mem>>) src(%arg12 : memref<128x128xf32, #tpu.memory_space<vmem>>) dst(%dma_wait3A_43 : memref<128x128xf32, #tpu.memory_space<vmem_shared>>)
      tpu.yield
    }) : () -> ()
    %add3A_18 = arith.constant 512 : i32
    %add3A_19 = arith.addi %mul3A_9, %add3A_18 : i32
    "tpu.region"() ({
      %run_scoped3A = tpu.sem_alloc : memref<!tpu.dma_semaphore, #tpu.memory_space<semaphore_mem>>
      %dma_start3A = arith.constant 0 : i32
      %dma_start3A_38 = tpu.memref_slice %arg8[%add3A_19, %dma_start3A] : memref<10240x128xf32, #tpu.memory_space<vmem_shared>> -> memref<128x128xf32, #tpu.memory_space<vmem_shared>>
      %dma_start3A_39 = arith.constant 0 : i32
      %dma_start3A_40 = tpu.memref_slice %arg8[%add3A_19, %dma_start3A_39] : memref<10240x128xf32, #tpu.memory_space<vmem_shared>> -> memref<128x128xf32, #tpu.memory_space<vmem_shared>>
      tpu.enqueue_dma source(%arg12 : memref<128x128xf32, #tpu.memory_space<vmem>>) target(%dma_start3A_40 : memref<128x128xf32, #tpu.memory_space<vmem_shared>>) target_semaphore(%run_scoped3A : memref<!tpu.dma_semaphore, #tpu.memory_space<semaphore_mem>>)
      %dma_wait3A = arith.constant 0 : i32
      %dma_wait3A_41 = tpu.memref_slice %arg8[%add3A_19, %dma_wait3A] : memref<10240x128xf32, #tpu.memory_space<vmem_shared>> -> memref<128x128xf32, #tpu.memory_space<vmem_shared>>
      %dma_wait3A_42 = arith.constant 0 : i32
      %dma_wait3A_43 = tpu.memref_slice %arg8[%add3A_19, %dma_wait3A_42] : memref<10240x128xf32, #tpu.memory_space<vmem_shared>> -> memref<128x128xf32, #tpu.memory_space<vmem_shared>>
      tpu.wait_dma2 semaphore(%run_scoped3A : memref<!tpu.dma_semaphore, #tpu.memory_space<semaphore_mem>>) src(%arg12 : memref<128x128xf32, #tpu.memory_space<vmem>>) dst(%dma_wait3A_43 : memref<128x128xf32, #tpu.memory_space<vmem_shared>>)
      tpu.yield
    }) : () -> ()
    %barrier3A = arith.constant 0 : index
    tpu.barrier barrier_id(%barrier3A)
    %scan3A_20 = arith.constant 0 : i32
    %scan3A_21 = arith.constant 0 : i32
    %scan3A_22 = arith.constant 79 : i32
    %scan3A_23 = arith.addi %scan3A_21, %scan3A_22 : i32
    %scan3A_24 = arith.constant 1 : i32
    %scan3A_25 = scf.for %scan3A_38 = %scan3A_21 to %scan3A_23 step %scan3A_24 iter_args(%scan3A_39 = %scan3A_20) -> (i32)  : i32 {
      %mul3A_40 = arith.constant 79 : i32
      %mul3A_41 = arith.muli %add3A, %mul3A_40 : i32
      %add3A_42 = arith.addi %mul3A_41, %scan3A_38 : i32
      %mul3A_43 = arith.constant 128 : i32
      %mul3A_44 = arith.muli %add3A_42, %mul3A_43 : i32
      "tpu.region"() ({
        %run_scoped3A = tpu.sem_alloc : memref<!tpu.dma_semaphore, #tpu.memory_space<semaphore_mem>>
        %dma_start3A_63 = tpu.memref_slice %arg4[%mul3A_44] : memref<323584xi32, #tpu.memory_space<hbm>> -> memref<128xi32, #tpu.memory_space<hbm>>
        %dma_start3A_64 = tpu.memref_slice %arg4[%mul3A_44] : memref<323584xi32, #tpu.memory_space<hbm>> -> memref<128xi32, #tpu.memory_space<hbm>>
        tpu.enqueue_dma source(%dma_start3A_64 : memref<128xi32, #tpu.memory_space<hbm>>) target(%arg9 : memref<128xi32, #tpu.memory_space<vmem>>) target_semaphore(%run_scoped3A : memref<!tpu.dma_semaphore, #tpu.memory_space<semaphore_mem>>)
        %dma_wait3A_65 = tpu.memref_slice %arg4[%mul3A_44] : memref<323584xi32, #tpu.memory_space<hbm>> -> memref<128xi32, #tpu.memory_space<hbm>>
        %dma_wait3A_66 = tpu.memref_slice %arg4[%mul3A_44] : memref<323584xi32, #tpu.memory_space<hbm>> -> memref<128xi32, #tpu.memory_space<hbm>>
        tpu.wait_dma2 semaphore(%run_scoped3A : memref<!tpu.dma_semaphore, #tpu.memory_space<semaphore_mem>>) src(%dma_wait3A_66 : memref<128xi32, #tpu.memory_space<hbm>>) dst(%arg9 : memref<128xi32, #tpu.memory_space<vmem>>)
        tpu.yield
      }) : () -> ()
      "tpu.region"() ({
        %run_scoped3A = tpu.sem_alloc : memref<!tpu.dma_semaphore, #tpu.memory_space<semaphore_mem>>
        %dma_start3A_63 = tpu.memref_slice %arg6[%mul3A_44] : memref<323584xi32, #tpu.memory_space<hbm>> -> memref<128xi32, #tpu.memory_space<hbm>>
        %dma_start3A_64 = tpu.memref_slice %arg6[%mul3A_44] : memref<323584xi32, #tpu.memory_space<hbm>> -> memref<128xi32, #tpu.memory_space<hbm>>
        tpu.enqueue_dma source(%dma_start3A_64 : memref<128xi32, #tpu.memory_space<hbm>>) target(%arg11 : memref<128xi32, #tpu.memory_space<vmem>>) target_semaphore(%run_scoped3A : memref<!tpu.dma_semaphore, #tpu.memory_space<semaphore_mem>>)
        %dma_wait3A_65 = tpu.memref_slice %arg6[%mul3A_44] : memref<323584xi32, #tpu.memory_space<hbm>> -> memref<128xi32, #tpu.memory_space<hbm>>
        %dma_wait3A_66 = tpu.memref_slice %arg6[%mul3A_44] : memref<323584xi32, #tpu.memory_space<hbm>> -> memref<128xi32, #tpu.memory_space<hbm>>
        tpu.wait_dma2 semaphore(%run_scoped3A : memref<!tpu.dma_semaphore, #tpu.memory_space<semaphore_mem>>) src(%dma_wait3A_66 : memref<128xi32, #tpu.memory_space<hbm>>) dst(%arg11 : memref<128xi32, #tpu.memory_space<vmem>>)
        tpu.yield
      }) : () -> ()
      "tpu.region"() ({
        %run_scoped3A = tpu.sem_alloc : memref<!tpu.dma_semaphore, #tpu.memory_space<semaphore_mem>>
        %dma_start3A_63 = tpu.memref_slice %arg5[%mul3A_44] : memref<323584xi32, #tpu.memory_space<hbm>> -> memref<128xi32, #tpu.memory_space<hbm>>
        %dma_start3A_64 = tpu.memref_slice %arg5[%mul3A_44] : memref<323584xi32, #tpu.memory_space<hbm>> -> memref<128xi32, #tpu.memory_space<hbm>>
        tpu.enqueue_dma source(%dma_start3A_64 : memref<128xi32, #tpu.memory_space<hbm>>) target(%arg10 : memref<128xi32, #tpu.memory_space<vmem>>) target_semaphore(%run_scoped3A : memref<!tpu.dma_semaphore, #tpu.memory_space<semaphore_mem>>)
        %dma_wait3A_65 = tpu.memref_slice %arg5[%mul3A_44] : memref<323584xi32, #tpu.memory_space<hbm>> -> memref<128xi32, #tpu.memory_space<hbm>>
        %dma_wait3A_66 = tpu.memref_slice %arg5[%mul3A_44] : memref<323584xi32, #tpu.memory_space<hbm>> -> memref<128xi32, #tpu.memory_space<hbm>>
        tpu.wait_dma2 semaphore(%run_scoped3A : memref<!tpu.dma_semaphore, #tpu.memory_space<semaphore_mem>>) src(%dma_wait3A_66 : memref<128xi32, #tpu.memory_space<hbm>>) dst(%arg10 : memref<128xi32, #tpu.memory_space<vmem>>)
        tpu.yield
      }) : () -> ()
      %dma_start3A = arith.constant 0 : i32
      %dma_start3A_45 = arith.constant 0 : i32
      %dma_start3A_46 = tpu.memref_slice %arg2[%dma_start3A, %dma_start3A_45] : memref<10000x128xf32, #tpu.memory_space<hbm>> -> memref<10000x128xf32, #tpu.memory_space<hbm>>
      tpu.enqueue_indirect_dma source(%dma_start3A_46 : memref<10000x128xf32, #tpu.memory_space<hbm>>) target(%arg12 : memref<128x128xf32, #tpu.memory_space<vmem>>) offsets(%arg9 : memref<128xi32, #tpu.memory_space<vmem>>) semaphore(%arg14 : memref<!tpu.dma_semaphore, #tpu.memory_space<semaphore_mem>>)
      %dma_start3A_47 = arith.constant 0 : i32
      %dma_start3A_48 = arith.constant 0 : i32
      %dma_start3A_49 = tpu.memref_slice %arg3[%dma_start3A_47, %dma_start3A_48] : memref<200x128xf32, #tpu.memory_space<hbm>> -> memref<200x128xf32, #tpu.memory_space<hbm>>
      tpu.enqueue_indirect_dma source(%dma_start3A_49 : memref<200x128xf32, #tpu.memory_space<hbm>>) target(%arg13 : memref<128x128xf32, #tpu.memory_space<vmem>>) offsets(%arg11 : memref<128xi32, #tpu.memory_space<vmem>>) semaphore(%arg15 : memref<!tpu.dma_semaphore, #tpu.memory_space<semaphore_mem>>)
      %dma_wait3A = arith.constant 0 : i32
      %dma_wait3A_50 = arith.constant 0 : i32
      %dma_wait3A_51 = tpu.memref_slice %arg2[%dma_wait3A, %dma_wait3A_50] : memref<10000x128xf32, #tpu.memory_space<hbm>> -> memref<10000x128xf32, #tpu.memory_space<hbm>>
      tpu.wait_indirect_dma semaphore(%arg14 : memref<!tpu.dma_semaphore, #tpu.memory_space<semaphore_mem>>) src(%dma_wait3A_51 : memref<10000x128xf32, #tpu.memory_space<hbm>>) dst(%arg12 : memref<128x128xf32, #tpu.memory_space<vmem>>)
      %dma_wait3A_52 = arith.constant 0 : i32
      %dma_wait3A_53 = arith.constant 0 : i32
      %dma_wait3A_54 = tpu.memref_slice %arg3[%dma_wait3A_52, %dma_wait3A_53] : memref<200x128xf32, #tpu.memory_space<hbm>> -> memref<200x128xf32, #tpu.memory_space<hbm>>
      tpu.wait_indirect_dma semaphore(%arg15 : memref<!tpu.dma_semaphore, #tpu.memory_space<semaphore_mem>>) src(%dma_wait3A_54 : memref<200x128xf32, #tpu.memory_space<hbm>>) dst(%arg13 : memref<128x128xf32, #tpu.memory_space<vmem>>)
      %scan3A_55 = arith.constant 0 : i32
      %scan3A_56 = arith.constant 0 : i32
      %scan3A_57 = arith.constant 128 : i32
      %scan3A_58 = arith.addi %scan3A_56, %scan3A_57 : i32
      %scan3A_59 = arith.constant 1 : i32
      %scan3A_60 = scf.for %scan3A_63 = %scan3A_56 to %scan3A_58 step %scan3A_59 iter_args(%scan3A_64 = %scan3A_55) -> (i32)  : i32 {
        %get3A = arith.index_cast %scan3A_63 : i32 to index
        %get3A_65 = arith.constant 0 : index
        %get3A_66 = tpu.vector_load %arg12[%get3A, %get3A_65] {strides = array<i32>} : memref<128x128xf32, #tpu.memory_space<vmem>>, vector<1x16xf32>,
        %get3A_67 = vector.shape_cast %get3A_66 : vector<1x16xf32> to vector<16xf32>
        %get3A_68 = arith.index_cast %scan3A_63 : i32 to index
        %get3A_69 = arith.constant 0 : index
        %get3A_70 = tpu.vector_load %arg13[%get3A_68, %get3A_69] {strides = array<i32>} : memref<128x128xf32, #tpu.memory_space<vmem>>, vector<1x16xf32>,
        %get3A_71 = vector.shape_cast %get3A_70 : vector<1x16xf32> to vector<16xf32>
        %mul3A_72 = arith.mulf %get3A_67, %get3A_71 : vector<16xf32>
        %swap3A = arith.index_cast %scan3A_63 : i32 to index
        %swap3A_73 = arith.constant 0 : index
        %swap3A_74 = tpu.vector_load %arg12[%swap3A, %swap3A_73] {strides = array<i32>} : memref<128x128xf32, #tpu.memory_space<vmem>>, vector<1x16xf32>,
        %swap3A_75 = vector.shape_cast %swap3A_74 : vector<1x16xf32> to vector<16xf32>
        %swap3A_76 = vector.shape_cast %mul3A_72 : vector<16xf32> to vector<1x16xf32>
        tpu.vector_store %arg12[%swap3A, %swap3A_73], %swap3A_76 {strides = array<i32>} : memref<128x128xf32, #tpu.memory_space<vmem>>, vector<1x16xf32>,
        %get3A_77 = arith.index_cast %scan3A_63 : i32 to index
        %get3A_78 = arith.constant 16 : index
        %get3A_79 = tpu.vector_load %arg12[%get3A_77, %get3A_78] {strides = array<i32>} : memref<128x128xf32, #tpu.memory_space<vmem>>, vector<1x16xf32>,
        %get3A_80 = vector.shape_cast %get3A_79 : vector<1x16xf32> to vector<16xf32>
        %get3A_81 = arith.index_cast %scan3A_63 : i32 to index
        %get3A_82 = arith.constant 16 : index
        %get3A_83 = tpu.vector_load %arg13[%get3A_81, %get3A_82] {strides = array<i32>} : memref<128x128xf32, #tpu.memory_space<vmem>>, vector<1x16xf32>,
        %get3A_84 = vector.shape_cast %get3A_83 : vector<1x16xf32> to vector<16xf32>
        %mul3A_85 = arith.mulf %get3A_80, %get3A_84 : vector<16xf32>
        %swap3A_86 = arith.index_cast %scan3A_63 : i32 to index
        %swap3A_87 = arith.constant 16 : index
        %swap3A_88 = tpu.vector_load %arg12[%swap3A_86, %swap3A_87] {strides = array<i32>} : memref<128x128xf32, #tpu.memory_space<vmem>>, vector<1x16xf32>,
        %swap3A_89 = vector.shape_cast %swap3A_88 : vector<1x16xf32> to vector<16xf32>
        %swap3A_90 = vector.shape_cast %mul3A_85 : vector<16xf32> to vector<1x16xf32>
        tpu.vector_store %arg12[%swap3A_86, %swap3A_87], %swap3A_90 {strides = array<i32>} : memref<128x128xf32, #tpu.memory_space<vmem>>, vector<1x16xf32>,
        %get3A_91 = arith.index_cast %scan3A_63 : i32 to index
        %get3A_92 = arith.constant 32 : index
        %get3A_93 = tpu.vector_load %arg12[%get3A_91, %get3A_92] {strides = array<i32>} : memref<128x128xf32, #tpu.memory_space<vmem>>, vector<1x16xf32>,
        %get3A_94 = vector.shape_cast %get3A_93 : vector<1x16xf32> to vector<16xf32>
        %get3A_95 = arith.index_cast %scan3A_63 : i32 to index
        %get3A_96 = arith.constant 32 : index
        %get3A_97 = tpu.vector_load %arg13[%get3A_95, %get3A_96] {strides = array<i32>} : memref<128x128xf32, #tpu.memory_space<vmem>>, vector<1x16xf32>,
        %get3A_98 = vector.shape_cast %get3A_97 : vector<1x16xf32> to vector<16xf32>
        %mul3A_99 = arith.mulf %get3A_94, %get3A_98 : vector<16xf32>
        %swap3A_100 = arith.index_cast %scan3A_63 : i32 to index
        %swap3A_101 = arith.constant 32 : index
        %swap3A_102 = tpu.vector_load %arg12[%swap3A_100, %swap3A_101] {strides = array<i32>} : memref<128x128xf32, #tpu.memory_space<vmem>>, vector<1x16xf32>,
        %swap3A_103 = vector.shape_cast %swap3A_102 : vector<1x16xf32> to vector<16xf32>
        %swap3A_104 = vector.shape_cast %mul3A_99 : vector<16xf32> to vector<1x16xf32>
        tpu.vector_store %arg12[%swap3A_100, %swap3A_101], %swap3A_104 {strides = array<i32>} : memref<128x128xf32, #tpu.memory_space<vmem>>, vector<1x16xf32>,
        %get3A_105 = arith.index_cast %scan3A_63 : i32 to index
        %get3A_106 = arith.constant 48 : index
        %get3A_107 = tpu.vector_load %arg12[%get3A_105, %get3A_106] {strides = array<i32>} : memref<128x128xf32, #tpu.memory_space<vmem>>, vector<1x16xf32>,
        %get3A_108 = vector.shape_cast %get3A_107 : vector<1x16xf32> to vector<16xf32>
        %get3A_109 = arith.index_cast %scan3A_63 : i32 to index
        %get3A_110 = arith.constant 48 : index
        %get3A_111 = tpu.vector_load %arg13[%get3A_109, %get3A_110] {strides = array<i32>} : memref<128x128xf32, #tpu.memory_space<vmem>>, vector<1x16xf32>,
        %get3A_112 = vector.shape_cast %get3A_111 : vector<1x16xf32> to vector<16xf32>
        %mul3A_113 = arith.mulf %get3A_108, %get3A_112 : vector<16xf32>
        %swap3A_114 = arith.index_cast %scan3A_63 : i32 to index
        %swap3A_115 = arith.constant 48 : index
        %swap3A_116 = tpu.vector_load %arg12[%swap3A_114, %swap3A_115] {strides = array<i32>} : memref<128x128xf32, #tpu.memory_space<vmem>>, vector<1x16xf32>,
        %swap3A_117 = vector.shape_cast %swap3A_116 : vector<1x16xf32> to vector<16xf32>
        %swap3A_118 = vector.shape_cast %mul3A_113 : vector<16xf32> to vector<1x16xf32>
        tpu.vector_store %arg12[%swap3A_114, %swap3A_115], %swap3A_118 {strides = array<i32>} : memref<128x128xf32, #tpu.memory_space<vmem>>, vector<1x16xf32>,
        %get3A_119 = arith.index_cast %scan3A_63 : i32 to index
        %get3A_120 = arith.constant 64 : index
        %get3A_121 = tpu.vector_load %arg12[%get3A_119, %get3A_120] {strides = array<i32>} : memref<128x128xf32, #tpu.memory_space<vmem>>, vector<1x16xf32>,
        %get3A_122 = vector.shape_cast %get3A_121 : vector<1x16xf32> to vector<16xf32>
        %get3A_123 = arith.index_cast %scan3A_63 : i32 to index
        %get3A_124 = arith.constant 64 : index
        %get3A_125 = tpu.vector_load %arg13[%get3A_123, %get3A_124] {strides = array<i32>} : memref<128x128xf32, #tpu.memory_space<vmem>>, vector<1x16xf32>,
        %get3A_126 = vector.shape_cast %get3A_125 : vector<1x16xf32> to vector<16xf32>
        %mul3A_127 = arith.mulf %get3A_122, %get3A_126 : vector<16xf32>
        %swap3A_128 = arith.index_cast %scan3A_63 : i32 to index
        %swap3A_129 = arith.constant 64 : index
        %swap3A_130 = tpu.vector_load %arg12[%swap3A_128, %swap3A_129] {strides = array<i32>} : memref<128x128xf32, #tpu.memory_space<vmem>>, vector<1x16xf32>,
        %swap3A_131 = vector.shape_cast %swap3A_130 : vector<1x16xf32> to vector<16xf32>
        %swap3A_132 = vector.shape_cast %mul3A_127 : vector<16xf32> to vector<1x16xf32>
        tpu.vector_store %arg12[%swap3A_128, %swap3A_129], %swap3A_132 {strides = array<i32>} : memref<128x128xf32, #tpu.memory_space<vmem>>, vector<1x16xf32>,
        %get3A_133 = arith.index_cast %scan3A_63 : i32 to index
        %get3A_134 = arith.constant 80 : index
        %get3A_135 = tpu.vector_load %arg12[%get3A_133, %get3A_134] {strides = array<i32>} : memref<128x128xf32, #tpu.memory_space<vmem>>, vector<1x16xf32>,
        %get3A_136 = vector.shape_cast %get3A_135 : vector<1x16xf32> to vector<16xf32>
        %get3A_137 = arith.index_cast %scan3A_63 : i32 to index
        %get3A_138 = arith.constant 80 : index
        %get3A_139 = tpu.vector_load %arg13[%get3A_137, %get3A_138] {strides = array<i32>} : memref<128x128xf32, #tpu.memory_space<vmem>>, vector<1x16xf32>,
        %get3A_140 = vector.shape_cast %get3A_139 : vector<1x16xf32> to vector<16xf32>
        %mul3A_141 = arith.mulf %get3A_136, %get3A_140 : vector<16xf32>
        %swap3A_142 = arith.index_cast %scan3A_63 : i32 to index
        %swap3A_143 = arith.constant 80 : index
        %swap3A_144 = tpu.vector_load %arg12[%swap3A_142, %swap3A_143] {strides = array<i32>} : memref<128x128xf32, #tpu.memory_space<vmem>>, vector<1x16xf32>,
        %swap3A_145 = vector.shape_cast %swap3A_144 : vector<1x16xf32> to vector<16xf32>
        %swap3A_146 = vector.shape_cast %mul3A_141 : vector<16xf32> to vector<1x16xf32>
        tpu.vector_store %arg12[%swap3A_142, %swap3A_143], %swap3A_146 {strides = array<i32>} : memref<128x128xf32, #tpu.memory_space<vmem>>, vector<1x16xf32>,
        %get3A_147 = arith.index_cast %scan3A_63 : i32 to index
        %get3A_148 = arith.constant 96 : index
        %get3A_149 = tpu.vector_load %arg12[%get3A_147, %get3A_148] {strides = array<i32>} : memref<128x128xf32, #tpu.memory_space<vmem>>, vector<1x16xf32>,
        %get3A_150 = vector.shape_cast %get3A_149 : vector<1x16xf32> to vector<16xf32>
        %get3A_151 = arith.index_cast %scan3A_63 : i32 to index
        %get3A_152 = arith.constant 96 : index
        %get3A_153 = tpu.vector_load %arg13[%get3A_151, %get3A_152] {strides = array<i32>} : memref<128x128xf32, #tpu.memory_space<vmem>>, vector<1x16xf32>,
        %get3A_154 = vector.shape_cast %get3A_153 : vector<1x16xf32> to vector<16xf32>
        %mul3A_155 = arith.mulf %get3A_150, %get3A_154 : vector<16xf32>
        %swap3A_156 = arith.index_cast %scan3A_63 : i32 to index
        %swap3A_157 = arith.constant 96 : index
        %swap3A_158 = tpu.vector_load %arg12[%swap3A_156, %swap3A_157] {strides = array<i32>} : memref<128x128xf32, #tpu.memory_space<vmem>>, vector<1x16xf32>,
        %swap3A_159 = vector.shape_cast %swap3A_158 : vector<1x16xf32> to vector<16xf32>
        %swap3A_160 = vector.shape_cast %mul3A_155 : vector<16xf32> to vector<1x16xf32>
        tpu.vector_store %arg12[%swap3A_156, %swap3A_157], %swap3A_160 {strides = array<i32>} : memref<128x128xf32, #tpu.memory_space<vmem>>, vector<1x16xf32>,
        %get3A_161 = arith.index_cast %scan3A_63 : i32 to index
        %get3A_162 = arith.constant 112 : index
        %get3A_163 = tpu.vector_load %arg12[%get3A_161, %get3A_162] {strides = array<i32>} : memref<128x128xf32, #tpu.memory_space<vmem>>, vector<1x16xf32>,
        %get3A_164 = vector.shape_cast %get3A_163 : vector<1x16xf32> to vector<16xf32>
        %get3A_165 = arith.index_cast %scan3A_63 : i32 to index
        %get3A_166 = arith.constant 112 : index
        %get3A_167 = tpu.vector_load %arg13[%get3A_165, %get3A_166] {strides = array<i32>} : memref<128x128xf32, #tpu.memory_space<vmem>>, vector<1x16xf32>,
        %get3A_168 = vector.shape_cast %get3A_167 : vector<1x16xf32> to vector<16xf32>
        %mul3A_169 = arith.mulf %get3A_164, %get3A_168 : vector<16xf32>
        %swap3A_170 = arith.index_cast %scan3A_63 : i32 to index
        %swap3A_171 = arith.constant 112 : index
        %swap3A_172 = tpu.vector_load %arg12[%swap3A_170, %swap3A_171] {strides = array<i32>} : memref<128x128xf32, #tpu.memory_space<vmem>>, vector<1x16xf32>,
        %swap3A_173 = vector.shape_cast %swap3A_172 : vector<1x16xf32> to vector<16xf32>
        %swap3A_174 = vector.shape_cast %mul3A_169 : vector<16xf32> to vector<1x16xf32>
        tpu.vector_store %arg12[%swap3A_170, %swap3A_171], %swap3A_174 {strides = array<i32>} : memref<128x128xf32, #tpu.memory_space<vmem>>, vector<1x16xf32>,
        %scan3A_175 = arith.constant 0 : i32
        scf.yield %scan3A_175 : i32
      }
      %scan3A_61 = arith.constant 128 : i32
      "tpu.region"() ({
        %run_scoped3A = tpu.sem_alloc : memref<!tpu.dma_semaphore, #tpu.memory_space<semaphore_mem>>
        %dma_start3A_63 = arith.constant 0 : i32
        %dma_start3A_64 = arith.constant 0 : i32
        %dma_start3A_65 = tpu.memref_slice %arg8[%dma_start3A_63, %dma_start3A_64] : memref<10240x128xf32, #tpu.memory_space<vmem_shared>> -> memref<10240x128xf32, #tpu.memory_space<vmem_shared>>
        tpu.enqueue_indirect_dma source(%arg12 : memref<128x128xf32, #tpu.memory_space<vmem>>) target(%dma_start3A_65 : memref<10240x128xf32, #tpu.memory_space<vmem_shared>>) offsets(%arg10 : memref<128xi32, #tpu.memory_space<vmem>>) semaphore(%run_scoped3A : memref<!tpu.dma_semaphore, #tpu.memory_space<semaphore_mem>>) {add = true}
        %dma_wait3A_66 = arith.constant 0 : i32
        %dma_wait3A_67 = arith.constant 0 : i32
        %dma_wait3A_68 = tpu.memref_slice %arg8[%dma_wait3A_66, %dma_wait3A_67] : memref<10240x128xf32, #tpu.memory_space<vmem_shared>> -> memref<10240x128xf32, #tpu.memory_space<vmem_shared>>
        tpu.wait_indirect_dma semaphore(%run_scoped3A : memref<!tpu.dma_semaphore, #tpu.memory_space<semaphore_mem>>) src(%arg12 : memref<128x128xf32, #tpu.memory_space<vmem>>) dst(%dma_wait3A_68 : memref<10240x128xf32, #tpu.memory_space<vmem_shared>>)
        tpu.yield
      }) : () -> ()
      %scan3A_62 = arith.constant 0 : i32
      scf.yield %scan3A_62 : i32
    }
    %scan3A_26 = arith.constant 79 : i32
    %barrier3A_27 = arith.constant 0 : index
    tpu.barrier barrier_id(%barrier3A_27)
    %add3A_28 = arith.constant 0 : i32
    %add3A_29 = arith.addi %mul3A_9, %add3A_28 : i32
    "tpu.region"() ({
      %run_scoped3A = tpu.sem_alloc : memref<!tpu.dma_semaphore, #tpu.memory_space<semaphore_mem>>
      %dma_start3A = arith.constant 0 : i32
      %dma_start3A_38 = tpu.memref_slice %arg8[%add3A_29, %dma_start3A] : memref<10240x128xf32, #tpu.memory_space<vmem_shared>> -> memref<128x128xf32, #tpu.memory_space<vmem_shared>>
      %dma_start3A_39 = arith.constant 0 : i32
      %dma_start3A_40 = tpu.memref_slice %arg8[%add3A_29, %dma_start3A_39] : memref<10240x128xf32, #tpu.memory_space<vmem_shared>> -> memref<128x128xf32, #tpu.memory_space<vmem_shared>>
      tpu.enqueue_dma source(%dma_start3A_40 : memref<128x128xf32, #tpu.memory_space<vmem_shared>>) target(%arg12 : memref<128x128xf32, #tpu.memory_space<vmem>>) target_semaphore(%run_scoped3A : memref<!tpu.dma_semaphore, #tpu.memory_space<semaphore_mem>>)
      %dma_wait3A = arith.constant 0 : i32
      %dma_wait3A_41 = tpu.memref_slice %arg8[%add3A_29, %dma_wait3A] : memref<10240x128xf32, #tpu.memory_space<vmem_shared>> -> memref<128x128xf32, #tpu.memory_space<vmem_shared>>
      %dma_wait3A_42 = arith.constant 0 : i32
      %dma_wait3A_43 = tpu.memref_slice %arg8[%add3A_29, %dma_wait3A_42] : memref<10240x128xf32, #tpu.memory_space<vmem_shared>> -> memref<128x128xf32, #tpu.memory_space<vmem_shared>>
      tpu.wait_dma2 semaphore(%run_scoped3A : memref<!tpu.dma_semaphore, #tpu.memory_space<semaphore_mem>>) src(%dma_wait3A_43 : memref<128x128xf32, #tpu.memory_space<vmem_shared>>) dst(%arg12 : memref<128x128xf32, #tpu.memory_space<vmem>>)
      tpu.yield
    }) : () -> ()
    "tpu.region"() ({
      %run_scoped3A = tpu.sem_alloc : memref<!tpu.dma_semaphore, #tpu.memory_space<semaphore_mem>>
      %dma_start3A = arith.constant 0 : i32
      %dma_start3A_38 = tpu.memref_slice %arg7[%arg0, %add3A_29, %dma_start3A] : memref<2x10240x128xf32, #tpu.memory_space<hbm>> -> memref<1x128x128xf32, #tpu.memory_space<hbm>>
      %dma_start3A_39 = tpu.memref_squeeze %dma_start3A_38 : memref<1x128x128xf32, #tpu.memory_space<hbm>> -> memref<128x128xf32, #tpu.memory_space<hbm>>
      %dma_start3A_40 = arith.constant 0 : i32
      %dma_start3A_41 = tpu.memref_slice %arg7[%arg0, %add3A_29, %dma_start3A_40] : memref<2x10240x128xf32, #tpu.memory_space<hbm>> -> memref<1x128x128xf32, #tpu.memory_space<hbm>>
      %dma_start3A_42 = tpu.memref_squeeze %dma_start3A_41 : memref<1x128x128xf32, #tpu.memory_space<hbm>> -> memref<128x128xf32, #tpu.memory_space<hbm>>
      tpu.enqueue_dma source(%arg12 : memref<128x128xf32, #tpu.memory_space<vmem>>) target(%dma_start3A_42 : memref<128x128xf32, #tpu.memory_space<hbm>>) target_semaphore(%run_scoped3A : memref<!tpu.dma_semaphore, #tpu.memory_space<semaphore_mem>>)
      %dma_wait3A = arith.constant 0 : i32
      %dma_wait3A_43 = tpu.memref_slice %arg7[%arg0, %add3A_29, %dma_wait3A] : memref<2x10240x128xf32, #tpu.memory_space<hbm>> -> memref<1x128x128xf32, #tpu.memory_space<hbm>>
      %dma_wait3A_44 = tpu.memref_squeeze %dma_wait3A_43 : memref<1x128x128xf32, #tpu.memory_space<hbm>> -> memref<128x128xf32, #tpu.memory_space<hbm>>
      %dma_wait3A_45 = arith.constant 0 : i32
      %dma_wait3A_46 = tpu.memref_slice %arg7[%arg0, %add3A_29, %dma_wait3A_45] : memref<2x10240x128xf32, #tpu.memory_space<hbm>> -> memref<1x128x128xf32, #tpu.memory_space<hbm>>
      %dma_wait3A_47 = tpu.memref_squeeze %dma_wait3A_46 : memref<1x128x128xf32, #tpu.memory_space<hbm>> -> memref<128x128xf32, #tpu.memory_space<hbm>>
      tpu.wait_dma2 semaphore(%run_scoped3A : memref<!tpu.dma_semaphore, #tpu.memory_space<semaphore_mem>>) src(%arg12 : memref<128x128xf32, #tpu.memory_space<vmem>>) dst(%dma_wait3A_47 : memref<128x128xf32, #tpu.memory_space<hbm>>)
      tpu.yield
    }) : () -> ()
    %add3A_30 = arith.constant 128 : i32
    %add3A_31 = arith.addi %mul3A_9, %add3A_30 : i32
    "tpu.region"() ({
      %run_scoped3A = tpu.sem_alloc : memref<!tpu.dma_semaphore, #tpu.memory_space<semaphore_mem>>
      %dma_start3A = arith.constant 0 : i32
      %dma_start3A_38 = tpu.memref_slice %arg8[%add3A_31, %dma_start3A] : memref<10240x128xf32, #tpu.memory_space<vmem_shared>> -> memref<128x128xf32, #tpu.memory_space<vmem_shared>>
      %dma_start3A_39 = arith.constant 0 : i32
      %dma_start3A_40 = tpu.memref_slice %arg8[%add3A_31, %dma_start3A_39] : memref<10240x128xf32, #tpu.memory_space<vmem_shared>> -> memref<128x128xf32, #tpu.memory_space<vmem_shared>>
      tpu.enqueue_dma source(%dma_start3A_40 : memref<128x128xf32, #tpu.memory_space<vmem_shared>>) target(%arg12 : memref<128x128xf32, #tpu.memory_space<vmem>>) target_semaphore(%run_scoped3A : memref<!tpu.dma_semaphore, #tpu.memory_space<semaphore_mem>>)
      %dma_wait3A = arith.constant 0 : i32
      %dma_wait3A_41 = tpu.memref_slice %arg8[%add3A_31, %dma_wait3A] : memref<10240x128xf32, #tpu.memory_space<vmem_shared>> -> memref<128x128xf32, #tpu.memory_space<vmem_shared>>
      %dma_wait3A_42 = arith.constant 0 : i32
      %dma_wait3A_43 = tpu.memref_slice %arg8[%add3A_31, %dma_wait3A_42] : memref<10240x128xf32, #tpu.memory_space<vmem_shared>> -> memref<128x128xf32, #tpu.memory_space<vmem_shared>>
      tpu.wait_dma2 semaphore(%run_scoped3A : memref<!tpu.dma_semaphore, #tpu.memory_space<semaphore_mem>>) src(%dma_wait3A_43 : memref<128x128xf32, #tpu.memory_space<vmem_shared>>) dst(%arg12 : memref<128x128xf32, #tpu.memory_space<vmem>>)
      tpu.yield
    }) : () -> ()
    "tpu.region"() ({
      %run_scoped3A = tpu.sem_alloc : memref<!tpu.dma_semaphore, #tpu.memory_space<semaphore_mem>>
      %dma_start3A = arith.constant 0 : i32
      %dma_start3A_38 = tpu.memref_slice %arg7[%arg0, %add3A_31, %dma_start3A] : memref<2x10240x128xf32, #tpu.memory_space<hbm>> -> memref<1x128x128xf32, #tpu.memory_space<hbm>>
      %dma_start3A_39 = tpu.memref_squeeze %dma_start3A_38 : memref<1x128x128xf32, #tpu.memory_space<hbm>> -> memref<128x128xf32, #tpu.memory_space<hbm>>
      %dma_start3A_40 = arith.constant 0 : i32
      %dma_start3A_41 = tpu.memref_slice %arg7[%arg0, %add3A_31, %dma_start3A_40] : memref<2x10240x128xf32, #tpu.memory_space<hbm>> -> memref<1x128x128xf32, #tpu.memory_space<hbm>>
      %dma_start3A_42 = tpu.memref_squeeze %dma_start3A_41 : memref<1x128x128xf32, #tpu.memory_space<hbm>> -> memref<128x128xf32, #tpu.memory_space<hbm>>
      tpu.enqueue_dma source(%arg12 : memref<128x128xf32, #tpu.memory_space<vmem>>) target(%dma_start3A_42 : memref<128x128xf32, #tpu.memory_space<hbm>>) target_semaphore(%run_scoped3A : memref<!tpu.dma_semaphore, #tpu.memory_space<semaphore_mem>>)
      %dma_wait3A = arith.constant 0 : i32
      %dma_wait3A_43 = tpu.memref_slice %arg7[%arg0, %add3A_31, %dma_wait3A] : memref<2x10240x128xf32, #tpu.memory_space<hbm>> -> memref<1x128x128xf32, #tpu.memory_space<hbm>>
      %dma_wait3A_44 = tpu.memref_squeeze %dma_wait3A_43 : memref<1x128x128xf32, #tpu.memory_space<hbm>> -> memref<128x128xf32, #tpu.memory_space<hbm>>
      %dma_wait3A_45 = arith.constant 0 : i32
      %dma_wait3A_46 = tpu.memref_slice %arg7[%arg0, %add3A_31, %dma_wait3A_45] : memref<2x10240x128xf32, #tpu.memory_space<hbm>> -> memref<1x128x128xf32, #tpu.memory_space<hbm>>
      %dma_wait3A_47 = tpu.memref_squeeze %dma_wait3A_46 : memref<1x128x128xf32, #tpu.memory_space<hbm>> -> memref<128x128xf32, #tpu.memory_space<hbm>>
      tpu.wait_dma2 semaphore(%run_scoped3A : memref<!tpu.dma_semaphore, #tpu.memory_space<semaphore_mem>>) src(%arg12 : memref<128x128xf32, #tpu.memory_space<vmem>>) dst(%dma_wait3A_47 : memref<128x128xf32, #tpu.memory_space<hbm>>)
      tpu.yield
    }) : () -> ()
    %add3A_32 = arith.constant 256 : i32
    %add3A_33 = arith.addi %mul3A_9, %add3A_32 : i32
    "tpu.region"() ({
      %run_scoped3A = tpu.sem_alloc : memref<!tpu.dma_semaphore, #tpu.memory_space<semaphore_mem>>
      %dma_start3A = arith.constant 0 : i32
      %dma_start3A_38 = tpu.memref_slice %arg8[%add3A_33, %dma_start3A] : memref<10240x128xf32, #tpu.memory_space<vmem_shared>> -> memref<128x128xf32, #tpu.memory_space<vmem_shared>>
      %dma_start3A_39 = arith.constant 0 : i32
      %dma_start3A_40 = tpu.memref_slice %arg8[%add3A_33, %dma_start3A_39] : memref<10240x128xf32, #tpu.memory_space<vmem_shared>> -> memref<128x128xf32, #tpu.memory_space<vmem_shared>>
      tpu.enqueue_dma source(%dma_start3A_40 : memref<128x128xf32, #tpu.memory_space<vmem_shared>>) target(%arg12 : memref<128x128xf32, #tpu.memory_space<vmem>>) target_semaphore(%run_scoped3A : memref<!tpu.dma_semaphore, #tpu.memory_space<semaphore_mem>>)
      %dma_wait3A = arith.constant 0 : i32
      %dma_wait3A_41 = tpu.memref_slice %arg8[%add3A_33, %dma_wait3A] : memref<10240x128xf32, #tpu.memory_space<vmem_shared>> -> memref<128x128xf32, #tpu.memory_space<vmem_shared>>
      %dma_wait3A_42 = arith.constant 0 : i32
      %dma_wait3A_43 = tpu.memref_slice %arg8[%add3A_33, %dma_wait3A_42] : memref<10240x128xf32, #tpu.memory_space<vmem_shared>> -> memref<128x128xf32, #tpu.memory_space<vmem_shared>>
      tpu.wait_dma2 semaphore(%run_scoped3A : memref<!tpu.dma_semaphore, #tpu.memory_space<semaphore_mem>>) src(%dma_wait3A_43 : memref<128x128xf32, #tpu.memory_space<vmem_shared>>) dst(%arg12 : memref<128x128xf32, #tpu.memory_space<vmem>>)
      tpu.yield
    }) : () -> ()
    "tpu.region"() ({
      %run_scoped3A = tpu.sem_alloc : memref<!tpu.dma_semaphore, #tpu.memory_space<semaphore_mem>>
      %dma_start3A = arith.constant 0 : i32
      %dma_start3A_38 = tpu.memref_slice %arg7[%arg0, %add3A_33, %dma_start3A] : memref<2x10240x128xf32, #tpu.memory_space<hbm>> -> memref<1x128x128xf32, #tpu.memory_space<hbm>>
      %dma_start3A_39 = tpu.memref_squeeze %dma_start3A_38 : memref<1x128x128xf32, #tpu.memory_space<hbm>> -> memref<128x128xf32, #tpu.memory_space<hbm>>
      %dma_start3A_40 = arith.constant 0 : i32
      %dma_start3A_41 = tpu.memref_slice %arg7[%arg0, %add3A_33, %dma_start3A_40] : memref<2x10240x128xf32, #tpu.memory_space<hbm>> -> memref<1x128x128xf32, #tpu.memory_space<hbm>>
      %dma_start3A_42 = tpu.memref_squeeze %dma_start3A_41 : memref<1x128x128xf32, #tpu.memory_space<hbm>> -> memref<128x128xf32, #tpu.memory_space<hbm>>
      tpu.enqueue_dma source(%arg12 : memref<128x128xf32, #tpu.memory_space<vmem>>) target(%dma_start3A_42 : memref<128x128xf32, #tpu.memory_space<hbm>>) target_semaphore(%run_scoped3A : memref<!tpu.dma_semaphore, #tpu.memory_space<semaphore_mem>>)
      %dma_wait3A = arith.constant 0 : i32
      %dma_wait3A_43 = tpu.memref_slice %arg7[%arg0, %add3A_33, %dma_wait3A] : memref<2x10240x128xf32, #tpu.memory_space<hbm>> -> memref<1x128x128xf32, #tpu.memory_space<hbm>>
      %dma_wait3A_44 = tpu.memref_squeeze %dma_wait3A_43 : memref<1x128x128xf32, #tpu.memory_space<hbm>> -> memref<128x128xf32, #tpu.memory_space<hbm>>
      %dma_wait3A_45 = arith.constant 0 : i32
      %dma_wait3A_46 = tpu.memref_slice %arg7[%arg0, %add3A_33, %dma_wait3A_45] : memref<2x10240x128xf32, #tpu.memory_space<hbm>> -> memref<1x128x128xf32, #tpu.memory_space<hbm>>
      %dma_wait3A_47 = tpu.memref_squeeze %dma_wait3A_46 : memref<1x128x128xf32, #tpu.memory_space<hbm>> -> memref<128x128xf32, #tpu.memory_space<hbm>>
      tpu.wait_dma2 semaphore(%run_scoped3A : memref<!tpu.dma_semaphore, #tpu.memory_space<semaphore_mem>>) src(%arg12 : memref<128x128xf32, #tpu.memory_space<vmem>>) dst(%dma_wait3A_47 : memref<128x128xf32, #tpu.memory_space<hbm>>)
      tpu.yield
    }) : () -> ()
    %add3A_34 = arith.constant 384 : i32
    %add3A_35 = arith.addi %mul3A_9, %add3A_34 : i32
    "tpu.region"() ({
      %run_scoped3A = tpu.sem_alloc : memref<!tpu.dma_semaphore, #tpu.memory_space<semaphore_mem>>
      %dma_start3A = arith.constant 0 : i32
      %dma_start3A_38 = tpu.memref_slice %arg8[%add3A_35, %dma_start3A] : memref<10240x128xf32, #tpu.memory_space<vmem_shared>> -> memref<128x128xf32, #tpu.memory_space<vmem_shared>>
      %dma_start3A_39 = arith.constant 0 : i32
      %dma_start3A_40 = tpu.memref_slice %arg8[%add3A_35, %dma_start3A_39] : memref<10240x128xf32, #tpu.memory_space<vmem_shared>> -> memref<128x128xf32, #tpu.memory_space<vmem_shared>>
      tpu.enqueue_dma source(%dma_start3A_40 : memref<128x128xf32, #tpu.memory_space<vmem_shared>>) target(%arg12 : memref<128x128xf32, #tpu.memory_space<vmem>>) target_semaphore(%run_scoped3A : memref<!tpu.dma_semaphore, #tpu.memory_space<semaphore_mem>>)
      %dma_wait3A = arith.constant 0 : i32
      %dma_wait3A_41 = tpu.memref_slice %arg8[%add3A_35, %dma_wait3A] : memref<10240x128xf32, #tpu.memory_space<vmem_shared>> -> memref<128x128xf32, #tpu.memory_space<vmem_shared>>
      %dma_wait3A_42 = arith.constant 0 : i32
      %dma_wait3A_43 = tpu.memref_slice %arg8[%add3A_35, %dma_wait3A_42] : memref<10240x128xf32, #tpu.memory_space<vmem_shared>> -> memref<128x128xf32, #tpu.memory_space<vmem_shared>>
      tpu.wait_dma2 semaphore(%run_scoped3A : memref<!tpu.dma_semaphore, #tpu.memory_space<semaphore_mem>>) src(%dma_wait3A_43 : memref<128x128xf32, #tpu.memory_space<vmem_shared>>) dst(%arg12 : memref<128x128xf32, #tpu.memory_space<vmem>>)
      tpu.yield
    }) : () -> ()
    "tpu.region"() ({
      %run_scoped3A = tpu.sem_alloc : memref<!tpu.dma_semaphore, #tpu.memory_space<semaphore_mem>>
      %dma_start3A = arith.constant 0 : i32
      %dma_start3A_38 = tpu.memref_slice %arg7[%arg0, %add3A_35, %dma_start3A] : memref<2x10240x128xf32, #tpu.memory_space<hbm>> -> memref<1x128x128xf32, #tpu.memory_space<hbm>>
      %dma_start3A_39 = tpu.memref_squeeze %dma_start3A_38 : memref<1x128x128xf32, #tpu.memory_space<hbm>> -> memref<128x128xf32, #tpu.memory_space<hbm>>
      %dma_start3A_40 = arith.constant 0 : i32
      %dma_start3A_41 = tpu.memref_slice %arg7[%arg0, %add3A_35, %dma_start3A_40] : memref<2x10240x128xf32, #tpu.memory_space<hbm>> -> memref<1x128x128xf32, #tpu.memory_space<hbm>>
      %dma_start3A_42 = tpu.memref_squeeze %dma_start3A_41 : memref<1x128x128xf32, #tpu.memory_space<hbm>> -> memref<128x128xf32, #tpu.memory_space<hbm>>
      tpu.enqueue_dma source(%arg12 : memref<128x128xf32, #tpu.memory_space<vmem>>) target(%dma_start3A_42 : memref<128x128xf32, #tpu.memory_space<hbm>>) target_semaphore(%run_scoped3A : memref<!tpu.dma_semaphore, #tpu.memory_space<semaphore_mem>>)
      %dma_wait3A = arith.constant 0 : i32
      %dma_wait3A_43 = tpu.memref_slice %arg7[%arg0, %add3A_35, %dma_wait3A] : memref<2x10240x128xf32, #tpu.memory_space<hbm>> -> memref<1x128x128xf32, #tpu.memory_space<hbm>>
      %dma_wait3A_44 = tpu.memref_squeeze %dma_wait3A_43 : memref<1x128x128xf32, #tpu.memory_space<hbm>> -> memref<128x128xf32, #tpu.memory_space<hbm>>
      %dma_wait3A_45 = arith.constant 0 : i32
      %dma_wait3A_46 = tpu.memref_slice %arg7[%arg0, %add3A_35, %dma_wait3A_45] : memref<2x10240x128xf32, #tpu.memory_space<hbm>> -> memref<1x128x128xf32, #tpu.memory_space<hbm>>
      %dma_wait3A_47 = tpu.memref_squeeze %dma_wait3A_46 : memref<1x128x128xf32, #tpu.memory_space<hbm>> -> memref<128x128xf32, #tpu.memory_space<hbm>>
      tpu.wait_dma2 semaphore(%run_scoped3A : memref<!tpu.dma_semaphore, #tpu.memory_space<semaphore_mem>>) src(%arg12 : memref<128x128xf32, #tpu.memory_space<vmem>>) dst(%dma_wait3A_47 : memref<128x128xf32, #tpu.memory_space<hbm>>)
      tpu.yield
    }) : () -> ()
    %add3A_36 = arith.constant 512 : i32
    %add3A_37 = arith.addi %mul3A_9, %add3A_36 : i32
    "tpu.region"() ({
      %run_scoped3A = tpu.sem_alloc : memref<!tpu.dma_semaphore, #tpu.memory_space<semaphore_mem>>
      %dma_start3A = arith.constant 0 : i32
      %dma_start3A_38 = tpu.memref_slice %arg8[%add3A_37, %dma_start3A] : memref<10240x128xf32, #tpu.memory_space<vmem_shared>> -> memref<128x128xf32, #tpu.memory_space<vmem_shared>>
      %dma_start3A_39 = arith.constant 0 : i32
      %dma_start3A_40 = tpu.memref_slice %arg8[%add3A_37, %dma_start3A_39] : memref<10240x128xf32, #tpu.memory_space<vmem_shared>> -> memref<128x128xf32, #tpu.memory_space<vmem_shared>>
      tpu.enqueue_dma source(%dma_start3A_40 : memref<128x128xf32, #tpu.memory_space<vmem_shared>>) target(%arg12 : memref<128x128xf32, #tpu.memory_space<vmem>>) target_semaphore(%run_scoped3A : memref<!tpu.dma_semaphore, #tpu.memory_space<semaphore_mem>>)
      %dma_wait3A = arith.constant 0 : i32
      %dma_wait3A_41 = tpu.memref_slice %arg8[%add3A_37, %dma_wait3A] : memref<10240x128xf32, #tpu.memory_space<vmem_shared>> -> memref<128x128xf32, #tpu.memory_space<vmem_shared>>
      %dma_wait3A_42 = arith.constant 0 : i32
      %dma_wait3A_43 = tpu.memref_slice %arg8[%add3A_37, %dma_wait3A_42] : memref<10240x128xf32, #tpu.memory_space<vmem_shared>> -> memref<128x128xf32, #tpu.memory_space<vmem_shared>>
      tpu.wait_dma2 semaphore(%run_scoped3A : memref<!tpu.dma_semaphore, #tpu.memory_space<semaphore_mem>>) src(%dma_wait3A_43 : memref<128x128xf32, #tpu.memory_space<vmem_shared>>) dst(%arg12 : memref<128x128xf32, #tpu.memory_space<vmem>>)
      tpu.yield
    }) : () -> ()
    "tpu.region"() ({
      %run_scoped3A = tpu.sem_alloc : memref<!tpu.dma_semaphore, #tpu.memory_space<semaphore_mem>>
      %dma_start3A = arith.constant 0 : i32
      %dma_start3A_38 = tpu.memref_slice %arg7[%arg0, %add3A_37, %dma_start3A] : memref<2x10240x128xf32, #tpu.memory_space<hbm>> -> memref<1x128x128xf32, #tpu.memory_space<hbm>>
      %dma_start3A_39 = tpu.memref_squeeze %dma_start3A_38 : memref<1x128x128xf32, #tpu.memory_space<hbm>> -> memref<128x128xf32, #tpu.memory_space<hbm>>
      %dma_start3A_40 = arith.constant 0 : i32
      %dma_start3A_41 = tpu.memref_slice %arg7[%arg0, %add3A_37, %dma_start3A_40] : memref<2x10240x128xf32, #tpu.memory_space<hbm>> -> memref<1x128x128xf32, #tpu.memory_space<hbm>>
      %dma_start3A_42 = tpu.memref_squeeze %dma_start3A_41 : memref<1x128x128xf32, #tpu.memory_space<hbm>> -> memref<128x128xf32, #tpu.memory_space<hbm>>
      tpu.enqueue_dma source(%arg12 : memref<128x128xf32, #tpu.memory_space<vmem>>) target(%dma_start3A_42 : memref<128x128xf32, #tpu.memory_space<hbm>>) target_semaphore(%run_scoped3A : memref<!tpu.dma_semaphore, #tpu.memory_space<semaphore_mem>>)
      %dma_wait3A = arith.constant 0 : i32
      %dma_wait3A_43 = tpu.memref_slice %arg7[%arg0, %add3A_37, %dma_wait3A] : memref<2x10240x128xf32, #tpu.memory_space<hbm>> -> memref<1x128x128xf32, #tpu.memory_space<hbm>>
      %dma_wait3A_44 = tpu.memref_squeeze %dma_wait3A_43 : memref<1x128x128xf32, #tpu.memory_space<hbm>> -> memref<128x128xf32, #tpu.memory_space<hbm>>
      %dma_wait3A_45 = arith.constant 0 : i32
      %dma_wait3A_46 = tpu.memref_slice %arg7[%arg0, %add3A_37, %dma_wait3A_45] : memref<2x10240x128xf32, #tpu.memory_space<hbm>> -> memref<1x128x128xf32, #tpu.memory_space<hbm>>
      %dma_wait3A_47 = tpu.memref_squeeze %dma_wait3A_46 : memref<1x128x128xf32, #tpu.memory_space<hbm>> -> memref<128x128xf32, #tpu.memory_space<hbm>>
      tpu.wait_dma2 semaphore(%run_scoped3A : memref<!tpu.dma_semaphore, #tpu.memory_space<semaphore_mem>>) src(%arg12 : memref<128x128xf32, #tpu.memory_space<vmem>>) dst(%dma_wait3A_47 : memref<128x128xf32, #tpu.memory_space<hbm>>)
      tpu.yield
    }) : () -> ()
    return
  }
}

module attributes {stable_mosaic.version = 14 : i64} {
  func.func @body(%arg0: i32, %arg1: memref<512x128xf32, #tpu.memory_space<vmem>>, %arg2: memref<512x128xf32, #tpu.memory_space<vmem>>, %arg3: memref<512x128xf32, #tpu.memory_space<vmem>>, %arg4: memref<512x1xf32, #tpu.memory_space<vmem>>, %arg5: memref<128x128xf32, #tpu.memory_space<vmem>>, %arg6: memref<128x128xf32, #tpu.memory_space<vmem>>, %arg7: memref<512x128xf32, #tpu.memory_space<vmem>>) attributes {dimension_semantics = [#tpu.dimension_semantics<arbitrary>], iteration_bounds = array<i64: 20>, scalar_prefetch = 0 : i64, scratch_operands = 0 : i64, tpu.core_type = #tpu.core_type<tc>, window_params = [{transform_indices = @transform_0, window_bounds = array<i64: 512, 128>}, {transform_indices = @transform_1, window_bounds = array<i64: 512, 128>}, {transform_indices = @transform_2, window_bounds = array<i64: 512, 128>}, {transform_indices = @transform_3, window_bounds = array<i64: 512, 1>}, {pipeline_mode = #tpu.pipeline_mode<synchronous>, transform_indices = @transform_4, window_bounds = array<i64: 128, 128>}, {pipeline_mode = #tpu.pipeline_mode<synchronous>, transform_indices = @transform_5, window_bounds = array<i64: 128, 128>}, {transform_indices = @transform_6, window_bounds = array<i64: 512, 128>}]} {
    %get3A = arith.constant 0 : index
    %get3A_0 = arith.constant 0 : index
    %get3A_1 = vector.load %arg1[%get3A, %get3A_0] : memref<512x128xf32, #tpu.memory_space<vmem>>, vector<512x128xf32>
    %get3A_2 = arith.constant 0 : index
    %get3A_3 = arith.constant 0 : index
    %get3A_4 = vector.load %arg2[%get3A_2, %get3A_3] : memref<512x128xf32, #tpu.memory_space<vmem>>, vector<512x128xf32>
    %add3A = arith.addf %get3A_1, %get3A_4 : vector<512x128xf32>
    %get3A_5 = arith.constant 0 : index
    %get3A_6 = arith.constant 0 : index
    %get3A_7 = vector.load %arg5[%get3A_5, %get3A_6] : memref<128x128xf32, #tpu.memory_space<vmem>>, vector<128x128xf32>
    %dot_general3A = arith.constant dense<0.000000e+00> : vector<512x128xf32>
    %dot_general3A_8 = tpu.matmul %add3A, %get3A_7, %dot_general3A {dimension_numbers = #tpu.dot_dimension_numbers<[1], [0], [0], [1], [0, 0, 1, 1], [], []>, transpose_lhs_hint = false} : vector<512x128xf32>, vector<128x128xf32>, vector<512x128xf32> -> vector<512x128xf32>
    %get3A_9 = arith.constant 0 : index
    %get3A_10 = arith.constant 0 : index
    %get3A_11 = vector.load %arg3[%get3A_9, %get3A_10] : memref<512x128xf32, #tpu.memory_space<vmem>>, vector<512x128xf32>
    %get3A_12 = arith.constant 0 : index
    %get3A_13 = arith.constant 0 : index
    %get3A_14 = vector.load %arg6[%get3A_12, %get3A_13] : memref<128x128xf32, #tpu.memory_space<vmem>>, vector<128x128xf32>
    %dot_general3A_15 = arith.constant dense<0.000000e+00> : vector<512x128xf32>
    %dot_general3A_16 = tpu.matmul %get3A_11, %get3A_14, %dot_general3A_15 {dimension_numbers = #tpu.dot_dimension_numbers<[1], [0], [0], [1], [0, 0, 1, 1], [], []>, transpose_lhs_hint = false} : vector<512x128xf32>, vector<128x128xf32>, vector<512x128xf32> -> vector<512x128xf32>
    %get3A_17 = arith.constant 0 : index
    %get3A_18 = arith.constant 0 : index
    %get3A_19 = vector.load %arg4[%get3A_17, %get3A_18] : memref<512x1xf32, #tpu.memory_space<vmem>>, vector<512x1xf32>
    %mul3A = vector.broadcast %get3A_19 : vector<512x1xf32> to vector<512x128xf32>
    %mul3A_20 = arith.mulf %dot_general3A_8, %mul3A : vector<512x128xf32>
    %add3A_21 = arith.addf %mul3A_20, %dot_general3A_16 : vector<512x128xf32>
    %swap3A = arith.constant 0 : index
    %swap3A_22 = arith.constant 0 : index
    %swap3A_23 = vector.load %arg7[%swap3A, %swap3A_22] : memref<512x128xf32, #tpu.memory_space<vmem>>, vector<512x128xf32>
    tpu.vector_store %arg7[%swap3A, %swap3A_22], %add3A_21 {strides = array<i32>} : memref<512x128xf32, #tpu.memory_space<vmem>>, vector<512x128xf32>,
    return
  }
  func.func @transform_0(%arg0: i32) -> (i32, i32) {
    %c0_i32 = arith.constant 0 : i32
    %c0_i32_0 = arith.constant 0 : i32
    return %arg0, %c0_i32 : i32, i32
  }
  func.func @transform_1(%arg0: i32) -> (i32, i32) {
    %c0_i32 = arith.constant 0 : i32
    %c0_i32_0 = arith.constant 0 : i32
    return %arg0, %c0_i32 : i32, i32
  }
  func.func @transform_2(%arg0: i32) -> (i32, i32) {
    %c0_i32 = arith.constant 0 : i32
    %c0_i32_0 = arith.constant 0 : i32
    return %arg0, %c0_i32 : i32, i32
  }
  func.func @transform_3(%arg0: i32) -> (i32, i32) {
    %c0_i32 = arith.constant 0 : i32
    %c0_i32_0 = arith.constant 0 : i32
    return %arg0, %c0_i32 : i32, i32
  }
  func.func @transform_4(%arg0: i32) -> (i32, i32) {
    %c0_i32 = arith.constant 0 : i32
    %c0_i32_0 = arith.constant 0 : i32
    %c0_i32_1 = arith.constant 0 : i32
    return %c0_i32, %c0_i32_0 : i32, i32
  }
  func.func @transform_5(%arg0: i32) -> (i32, i32) {
    %c0_i32 = arith.constant 0 : i32
    %c0_i32_0 = arith.constant 0 : i32
    %c0_i32_1 = arith.constant 0 : i32
    return %c0_i32, %c0_i32_0 : i32, i32
  }
  func.func @transform_6(%arg0: i32) -> (i32, i32) {
    %c0_i32 = arith.constant 0 : i32
    %c0_i32_0 = arith.constant 0 : i32
    return %arg0, %c0_i32 : i32, i32
  }
}

</mosaic_0001>

<sc_bundles>
// kernel: kernel.4.cloned.1.call-start
scs
__scs_entry_jumppad:
0x0: {  	(pc) =	sbr.rel $0x88, $3  }
0x1: {  	(tag) =	ssettag $0x0;
	lr =	simm.s32 $0x1  }
0x2: {  	[smem:$0x3F9A] =	sst lr;
	_ =	strace $0xD0000000  }
0x3: {  	_ = 	snop  }
0x4: {  	_ = 	snop  }
0x5: {  	_ = 	snop  }
0x6: {  	_ = 	snop  }
0x7: {  	_ = 	snop  }
__scs_overlays_trampoline_lowered:
0x8: {  	[smem:$0x3FA9] =	sst s0  }
0x9: {  	[smem:$0x3FAA] =	sst s1  }
0xa: {  	[smem:$0x3FAB] =	sst s2  }
0xb: {  	[smem:$0x3FAC] =	sst s3  }
0xc: {  	[smem:$0x3FAD] =	sst s4  }
0xd: {  	[smem:$0x3FAE] =	sst s5  }
0xe: {  	[smem:$0x3FAF] =	sst s6  }
0xf: {  	[smem:$0x3FB0] =	sst s7  }
0x10: {  	[smem:$0x3FB1] =	sst s8  }
0x11: {  	[smem:$0x3FB2] =	sst s9;
	s0 =	simm.s32 @!p0 $0x0  }
0x12: {  	s1 =	sld [smem:$0x3F98];
	s0 =	simm.s32 @p0 $0x1  }
0x13: {  	[smem:$0x3FB3] =	sst s0;
	s0 =	simm.s32 @!p1 $0x0  }
0x14: {  	s2 =	sld [smem:$0x3F97];
	s0 =	simm.s32 @p1 $0x1  }
0x15: {  	[smem:$0x3FB4] =	sst s0;
	s0 =	simm.s32 @!p2 $0x0  }
0x16: {  	s3 =	sld [smem:$0x3FDB];
	s0 =	simm.s32 @p2 $0x1  }
0x17: {  	s4 =	simm.s32 $0x1BF5;
	[smem:$0x3FB6] =	sst s0  }
0x18: {  	s0 =	sld [smem:$0x3F99];
	_ =	swait.ge [sflag:s4], $0x0  }
0x19: {  	s7 =	sld [smem:$0x3F9A]  }
0x1a: {  	s8 =	sadd.s32 $0xFFFFE003, lr  }
0x1b: {  	s9 =	sadd.s32 $0xFFFFFEF7, lr;
	s5 =	simm.s32 $0xFFFFFFFF;
	p2 =	slt.u32 s8, $0xFFFFF086  }
0x1c: {  	p1 =	slt.u32 s9, $0xF7A;
	s5 =	simm.s32 @!p2 $0x0  }
0x1d: {  	s5 =	simm.s32 @p1 $0x1;
	p0 =	seq.s32 s7, s2  }
0x1e: {  	s7 =	smul.u32 @!p0 $0xF7A, s2;
	p2 =	seq.s32 @!p0 s5, $0x0  }
0x1f: {  	s9 =	smul.u32 $0xF7A, s1;
	s8 =	simm.s32 @!p0 $0x1BF5;
	p2 =	por !p2, p0  }
0x20: {  	[sflag:s8] =	ssyncset.s32 @!p0 $0xFFFFF086;
	s6 =	sadd.s32 @!p0 s3, s7;
	s7 =	simm.s32 @!p0 $0x108  }
0x21: {  	s3 =	sadd.s32 s3, s9;
	s6 =	sadd.s32 @!p0 $0x88, s6;
	s7 =	simm.s32 @p2 $0x1082  }
0x22: {  	[simem:s7], [sflag:s8] =	dma.local @!p0 [hbm:s6], $0xF7A  }
0x23: {  	s9 =	sor.u32 $0xD0000000, s2;
	s6 =	simm.s32 $0x108;
	_ =	swait.ge @!p0 [sflag:s8], $0x0  }
0x24: {  	s3 =	sadd.s32 $0x88, s3;
	s6 =	simm.s32 @!p1 $0x1082;
	[sflag:s4] =	ssyncset.s32 $0xFFFFF086  }
0x25: {  	[simem:s6], [sflag:s4] =	dma.local [hbm:s3], $0xF7A  }
0x26: {  	[smem:$0x3F9A] =	sst s1;
	(tag) =	ssettag s2;
	_ =	strace s9  }
0x27: {  	s1 =	sld [smem:$0x3FAA]  }
0x28: {  	s2 =	sld [smem:$0x3FAB]  }
0x29: {  	s4 =	sld [smem:$0x3FAD]  }
0x2a: {  	p0 =	seq.s32 s5, $0x0;
	s5 =	sld [smem:$0x3FAE]  }
0x2b: {  	s6 =	sld [smem:$0x3FAF]  }
0x2c: {  	s7 =	sld [smem:$0x3FB0]  }
0x2d: {  	s3 =	simm.s32 $0x108;
	s8 =	sld [smem:$0x3FB1]  }
0x2e: {  	s3 =	simm.s32 @!p0 $0x1082;
	s9 =	sld [smem:$0x3FB2]  }
0x2f: {  	lr =	sadd.s32 s0, s3;
	s0 =	sld [smem:$0x3FA9]  }
0x30: {  	s3 =	sld [smem:$0x3FAC]  }
0x31: {  	[smem:$0x3FB5] =	sst s10  }
0x32: {  	s10 =	sld [smem:$0x3FB3];
	_ =	sdelay $0x3  }
0x33: {  	p0 =	seq.s32 s10, $0x1;
	s10 =	sld [smem:$0x3FB5];
	_ =	sdelay $0x3  }
0x34: {  	[smem:$0x3FB5] =	sst s10  }
0x35: {  	s10 =	sld [smem:$0x3FB4];
	_ =	sdelay $0x3  }
0x36: {  	p1 =	seq.s32 s10, $0x1;
	s10 =	sld [smem:$0x3FB5];
	_ =	sdelay $0x3  }
0x37: {  	[smem:$0x3FB5] =	sst s10  }
0x38: {  	s10 =	sld [smem:$0x3FB6]  }
0x39: {  	_ = 	snop;
	(pc) =	sbr.ind lr, $3  }
0x3a: {  	_ = 	snop  }
0x3b: {  	_ = 	snop  }
0x3c: {  	p2 =	seq.s32 s10, $0x1;
	s10 =	sld [smem:$0x3FB5]  }
0x3d: {  	_ =	shalt  }
0x3e: {  	_ =	shalt  }
0x3f: {  	_ =	shalt  }
0x40: {  	_ =	shalt  }
0x41: {  	_ =	shalt  }
0x42: {  	_ =	shalt  }
0x43: {  	_ =	shalt  }
0x44: {  	_ =	shalt  }
0x45: {  	_ =	shalt  }
0x46: {  	_ =	shalt  }
0x47: {  	_ =	shalt  }
0x48: {  	_ =	shalt  }
0x49: {  	_ =	shalt  }
0x4a: {  	_ =	shalt  }
0x4b: {  	_ =	shalt  }
0x4c: {  	_ =	shalt  }
0x4d: {  	_ =	shalt  }
0x4e: {  	_ =	shalt  }
0x4f: {  	_ =	shalt  }
0x50: {  	_ =	shalt  }
0x51: {  	_ =	shalt  }
0x52: {  	_ =	shalt  }
0x53: {  	_ =	shalt  }
0x54: {  	_ =	shalt  }
0x55: {  	_ =	shalt  }
0x56: {  	_ =	shalt  }
0x57: {  	_ =	shalt  }
0x58: {  	_ =	shalt  }
0x59: {  	_ =	shalt  }
0x5a: {  	_ =	shalt  }
0x5b: {  	_ =	shalt  }
0x5c: {  	_ =	shalt  }
0x5d: {  	_ =	shalt  }
0x5e: {  	_ =	shalt  }
0x5f: {  	_ =	shalt  }
0x60: {  	_ =	shalt  }
0x61: {  	_ =	shalt  }
0x62: {  	_ =	shalt  }
0x63: {  	_ =	shalt  }
0x64: {  	_ =	shalt  }
0x65: {  	_ =	shalt  }
0x66: {  	_ =	shalt  }
0x67: {  	_ =	shalt  }
0x68: {  	_ =	shalt  }
0x69: {  	_ =	shalt  }
0x6a: {  	_ =	shalt  }
0x6b: {  	_ =	shalt  }
0x6c: {  	_ =	shalt  }
0x6d: {  	_ =	shalt  }
0x6e: {  	_ =	shalt  }
0x6f: {  	_ =	shalt  }
0x70: {  	_ =	shalt  }
0x71: {  	_ =	shalt  }
0x72: {  	_ =	shalt  }
0x73: {  	_ =	shalt  }
0x74: {  	_ =	shalt  }
0x75: {  	_ =	shalt  }
0x76: {  	_ =	shalt  }
0x77: {  	_ =	shalt  }
0x78: {  	_ =	shalt  }
0x79: {  	_ =	shalt  }
0x7a: {  	_ =	shalt  }
0x7b: {  	_ =	shalt  }
0x7c: {  	_ =	shalt  }
0x7d: {  	_ =	shalt  }
0x7e: {  	_ =	shalt  }
0x7f: {  	_ =	shalt  }
0x80: {  	_ =	shalt  }
0x81: {  	_ =	shalt  }
0x82: {  	_ =	shalt  }
0x83: {  	_ =	shalt  }
0x84: {  	_ =	shalt  }
0x85: {  	_ =	shalt  }
0x86: {  	_ =	shalt  }
0x87: {  	_ =	shalt  }
.Lfunc_end0:
.L_simem_size_0:
called_computation_lowered:
.L_overlay_start_0:
0x88: {  	s2 =	sld [smem:$0x3FD9]  }
0x89: {  	s3 =	sld [smem:$0x3FFE];
	_ =	sdelay $0x1  }
0x8a: {  	s1 =	srdreg.scid  }
0x8b: {  	s0 =	sand.u32 $0x1, s1  }
0x8c: {  	s17 =	sshll.u32 s0, $0xA;
	s2 =	sadd.s32 s3, s2  }
0x8d: {  	s2 =	sadd.s32 s2, s17  }
0x8e: {  	[smem:$0x3FC1] =	sst s2  }
0x8f: {  	_ = 	snop  }
0x90: {  	s2 =	sld [smem:$0x3FC9]  }
0x91: {  	s18 =	sld [smem:$0x3FC7]  }
0x92: {  	s4 =	sld [smem:$0x3FD0];
	(tm) =	ssettm $0x1  }
0x93: {  	s5 =	sld [smem:$0x3FFB];
	_ =	sdelay $0x3  }
0x94: {  	_ =	strace s5  }
0x95: {  	s5 =	sld [smem:$0x3FFC];
	_ =	sdelay $0x3  }
0x96: {  	_ =	strace s5  }
0x97: {  	s5 =	sld [smem:$0x3FFD];
	_ =	sdelay $0x3  }
0x98: {  	_ =	strace s5  }
0x99: {  	_ =	strace $0x8FFFFFFF  }
0x9a: {  	s19 =	sld [smem:$0x3FDB];
	_ =	sdelay $0x1  }
0x9b: {  	s6 =	simm.s32 $_scs_section_size  }
0x9c: {  	s7 =	simm.s32 $_size__tile_overlayer_lowered;
	s8 =	simm.s32 $_tile_overlayer_lowered  }
0x9d: {  	s22 =	simm.s32 $0x1BFF;
	s21 =	sshll.u32 s8, $0x1;
	s5 =	sadd.s32 s6, s19  }
0x9e: {  	s9 =	simm.s32 $0x0;
	s20 =	sshll.u32 s7, $0x1;
	s7 =	sadd.s32 s21, s5  }
0x9f: {  	[timem:s9], [sflag:s22] =	dma.local [hbm:s7], s20  }
0xa0: {  	_ =	swait.ge [sflag:s22], s20  }
0xa1: {  	s6 =	ssub.s32 $0x0, s20;
	[sflag:s22] =	ssyncset.done $0x0  }
0xa2: {  	[sflag:s22] =	ssyncadd.s32 s6;
	_ =	sdelay $0x1  }
0xa3: {  	s23 =	simm.s32 $0x1B8B  }
0xa4: {  	_ =	swait.ge [sflag:s23], $0x1  }
0xa5: {  	[sflag:s23] =	ssyncset.done $0x0  }
0xa6: {  	s25 =	simm.s32 $0x1B8E;
	s24 =	sld [smem:$0x3FFE];
	[sflag:s23] =	ssyncadd.s32 $0xFFFFFFFF  }
0xa7: {  	s26 =	simm.s32 $execute0_lowered;
	[smem:$0x3FD2] =	sst s25  }
0xa8: {  	s7 =	sshll.u32 s26, $0x1;
	_ =	strace $0x80000046;
	[dreg:$0x1] =	wrdreg $0xFFFFFFFF  }
0xa9: {  	s28 =	simm.s32 $_size_execute0_lowered;
	s5 =	sadd.s32 s5, s7;
	[dreg:$0x0] =	wrdreg $0x0  }
0xaa: {  	s7 =	sshll.u32 s28, $0x1;
	[dreg:$0x2] =	wrdreg s5  }
0xab: {  	[dreg:$0x3] =	wrdreg s7  }
0xac: {  	[dreg:$0x4] =	wrdreg $0xC0  }
0xad: {  	_ =	task [dreg:s9], $0x5FFFF  }
0xae: {  	[dreg:$0x1] =	wrdreg $0xFFFFFFFF  }
0xaf: {  	[dreg:$0x0] =	wrdreg $0x60  }
0xb0: {  	[dreg:$0x2] =	wrdreg s2  }
0xb1: {  	[dreg:$0x3] =	wrdreg s18  }
0xb2: {  	[dreg:$0x4] =	wrdreg s4  }
0xb3: {  	[dreg:$0x5] =	wrdreg s24  }
0xb4: {  	[dreg:$0x6] =	wrdreg $0x0  }
0xb5: {  	[dreg:$0x7] =	wrdreg $0x9  }
0xb6: {  	_ =	task.clear_ibuf [dreg:s9], $0x8FFFF;
	_ =	strace $0x90000046  }
0xb7: {  	s29 =	simm.s32 $0x9;
	_ =	strace $0x80000048  }
0xb8: {  	_ =	swait.ge [sflag:s29], $0x1  }
0xb9: {  	[sflag:s29] =	ssyncadd.s32 $0xFFFFFFFF  }
0xba: {  	_ =	strace $0x90000048  }
0xbb: {  	_ =	sfence  }
0xbc: {  	s30 =	sld [smem:$0x0];
	_ =	sdelay $0x2  }
0xbd: {  	s31 =	sshll.u32 s1, $0xD;
	s1 =	sshrl.u32 s1, $0x2  }
0xbe: {  	s3 =	sand.u32 $0x4000, s31;
	s1 =	sadd.s32 s1, s30  }
0xbf: {  	s0 =	sor.u32 s3, s0;
	s1 =	sshll.u32 s1, $0x11  }
0xc0: {  	s0 =	sor.u32 s1, s0  }
0xc1: {  	s0 =	sadd.s32 $0x8F2B, s0  }
0xc2: {  	[sflag:s0] =	ssyncadd.remote.s32 $0x1  }
0xc3: {  	_ =	sfence.sel $0xFFFF  }
0xc4: {  	[dreg:$0x0] =	wrdreg $0xFFFFFFFF;
	(pc) =	sbr.abs _section_cstart, $3  }
0xc5: {  	[dreg:$0x1] =	wrdreg $0xFFFFFFFF  }
0xc6: {  	_ =	task.clear_ibuf [dreg:s9], $0x2FFFF;
	_ =	strace $0x9FFFFFFF  }
0xc7: {  	(tm) =	ssettm $0x7FFFFFFF  }
tec
execute0_lowered:
.L_overlay_start_1:
0x0: {  	(tag) =	ssettag $0x1  }
0x1: {  	s1 =	rddreg [dreg:$0x0]  }
0x2: {  	s2 =	rddreg [dreg:$0x1]  }
0x3: {  	s3 =	rddreg [dreg:$0x2]  }
0x4: {  	s0 =	rddreg [dreg:$0x3]  }
0x5: {  	s4 =	rddreg [dreg:$0x4]  }
0x6: {  	s6 =	simm.s32 $0x0;
	s5 =	srdreg.scid;
	s13 =	stileid.u32  }
0x7: {  	s21 =	simm.s32 $0x14180;
	s22 =	simm.s32 $0x3;
	s23 =	simm.s32 $0x14000  }
0x8: {  	s24 =	simm.s32 $0x14100;
	s28 =	simm.s32 $0x18180;
	s29 =	simm.s32 $0x1  }
0x9: {  	s30 =	simm.s32 $0x2;
	s31 =	simm.s32 $0x0;
	[smem:$0x7FF] =	sst s6  }
0xa: {  	s5 =	sand.u32 $0x1, s5;
	s7 =	sadd.s32 $0xAC00, s0;
	s10 =	smul.u32 $0x50000, s13  }
0xb: {  	s8 =	sadd.s32 $0xE00, s0;
	s0 =	sadd.s32 $0x14A00, s0;
	s12 =	sshll.u32 s13, $0x1  }
0xc: {  	s13 =	smul.u32 $0x14000, s13;
	_ =	strace $0x80000047;
	s9 =	ssub.s32 $0x2, s5  }
0xd: {  	s14 =	sor.u32 s5, s12;
	s5 =	smul.u32 $0x140000, s5;
	s11 =	sshrl.u32 s9, $0x1  }
0xe: {  	s10 =	sshrl.u32 s10, $0x2;
	s16 =	sadd.s32 $0x4000, s13;
	s17 =	sadd.s32 $0x8000, s13  }
0xf: {  	s18 =	sadd.s32 $0xC000, s13;
	s19 =	sadd.s32 $0x10000, s13;
	s14 =	smul.u32 $0x4F, s14  }
0x10: {  	s15 =	ssub.s32 s9, s11;
	s9 =	sadd.s32 s10, s4;
	s10 =	sadd.s32 s16, s4  }
0x11: {  	s11 =	sadd.s32 s17, s4;
	s12 =	sadd.s32 s18, s4;
	s20 =	sadd.s32 s13, s5  }
0x12: {  	s13 =	sadd.s32 s19, s4;
	s16 =	sadd.s32 s5, s16;
	s25 =	sadd.s32 s5, s17  }
0x13: {  	s26 =	sadd.s32 s5, s18;
	s5 =	sadd.s32 s5, s19;
	s20 =	sshrl.u32 s20, $0x3  }
0x14: {  	s16 =	sshrl.u32 s16, $0x3;
	s18 =	sshrl.u32 s26, $0x3;
	s5 =	sshrl.u32 s5, $0x3  }
0x15: {  	s26 =	simm.s32 $0x80;
	s20 =	sadd.s32 s0, s20;
	s16 =	sadd.s32 s0, s16  }
0x16: {  	s18 =	sadd.s32 s0, s18;
	[dreg:$0x7] =	wrdreg s16;
	s16 =	sshrl.u32 s25, $0x3  }
0x17: {  	s19 =	sadd.s32 s0, s5;
	[dreg:$0x6] =	wrdreg s20;
	s16 =	sadd.s32 s0, s16  }
0x18: {  	v0 =	vimm.f32 $0.0e+00;
	s20 =	smax.u32 s15, $0x1;
	s25 =	simm.s32 $0x14080;
	[dreg:$0x8] =	wrdreg s16  }
.LBB2_1:
0x19: {  	s0 =	simm.s32 $0x0;
	s5 =	simm.s32 $0x200  }
.LBB2_2:
0x1a: {  	p0 =	sne.s32 s5, $0xFE00;
	[tilespmem:s0+$0x141F0] =	vst v0  }
0x1b: {  	[tilespmem:s0+$0x14180] =	vst v0  }
0x1c: {  	[tilespmem:s0+$0x14190] =	vst v0  }
.Ltmp0:
0x1d: {  	[tilespmem:s0+$0x141A0] =	vst v0;
	(pc) =	sbr.rel @p0 .LBB2_2-.Ltmp0, $4  }
0x1e: {  	[tilespmem:s0+$0x141B0] =	vst v0  }
0x1f: {  	[tilespmem:s0+$0x141C0] =	vst v0  }
0x20: {  	[tilespmem:s0+$0x141D0] =	vst v0  }
0x21: {  	[tilespmem:s0+$0x141E0] =	vst v0;
	s0 =	sshra.s32 s5, $0x2;
	s5 =	sadd.s32 $0x200, s5  }
0x22: {  	[tilespmem:s0+$0x141F0] =	vst v0  }
0x23: {  	[tilespmem:s0+$0x14180] =	vst v0  }
0x24: {  	[tilespmem:s0+$0x14190] =	vst v0  }
0x25: {  	[tilespmem:s0+$0x141A0] =	vst v0  }
0x26: {  	[tilespmem:s0+$0x141B0] =	vst v0  }
0x27: {  	[tilespmem:s0+$0x141C0] =	vst v0  }
0x28: {  	[tilespmem:s0+$0x141D0] =	vst v0  }
0x29: {  	[tilespmem:s0+$0x141E0] =	vst v0  }
0x2a: {  	[spmem:s9] =	stream.linear.scatter [tilespmem:s21], [sflag:$0x3], $0x4000, $0x38;
	[tilespmem:$0x1C180] =	vst v63  }
0x2b: {  	_ =	swait.ge [sflag:s22], $0x4000  }
0x2c: {  	[sflag:s22] =	ssyncset.done $0x0  }
0x2d: {  	[sflag:s22] =	ssyncadd.s32 $0xFFFFC000  }
0x2e: {  	[spmem:s10] =	stream.linear.scatter [tilespmem:s21], [sflag:$0x3], $0x4000, $0x38;
	[tilespmem:$0x1C180] =	vst v63  }
0x2f: {  	_ =	swait.ge [sflag:s22], $0x4000  }
0x30: {  	[sflag:s22] =	ssyncset.done $0x0  }
0x31: {  	[sflag:s22] =	ssyncadd.s32 $0xFFFFC000  }
0x32: {  	[spmem:s11] =	stream.linear.scatter [tilespmem:s21], [sflag:$0x3], $0x4000, $0x38;
	[tilespmem:$0x1C180] =	vst v63  }
0x33: {  	_ =	swait.ge [sflag:s22], $0x4000  }
0x34: {  	[sflag:s22] =	ssyncset.done $0x0  }
0x35: {  	[sflag:s22] =	ssyncadd.s32 $0xFFFFC000  }
0x36: {  	[spmem:s12] =	stream.linear.scatter [tilespmem:s21], [sflag:$0x3], $0x4000, $0x38;
	[tilespmem:$0x1C180] =	vst v63  }
0x37: {  	_ =	swait.ge [sflag:s22], $0x4000  }
0x38: {  	[sflag:s22] =	ssyncset.done $0x0  }
0x39: {  	[sflag:s22] =	ssyncadd.s32 $0xFFFFC000  }
0x3a: {  	[spmem:s13] =	stream.linear.scatter [tilespmem:s21], [sflag:$0x3], $0x4000, $0x38;
	[tilespmem:$0x1C180] =	vst v63  }
0x3b: {  	_ =	swait.ge [sflag:s22], $0x4000  }
0x3c: {  	[sflag:s22] =	ssyncset.done $0x0  }
0x3d: {  	[sflag:s22] =	ssyncadd.s32 $0xFFFFC000  }
0x3e: {  	s0 =	simm.s32 $0x0;
	s5 =	simm.s32 $0x0;
	[bflag:$0x0] =	sbarrier.arrive $0xFFFF  }
.LBB2_4:
0x3f: {  	s15 =	sadd.s32 s14, s5  }
0x40: {  	s15 =	sshll.u32 s15, $0x4  }
0x41: {  	s16 =	sadd.s32 s3, s15  }
0x42: {  	[tilespmem:s23], [sflag:$0x3] =	stream.linear.gather [hbm4b:s16+s0], $0x80, $0x38;
	[tilespmem:$0x1C180] =	vst v63  }
0x43: {  	_ =	swait.ge [sflag:s22], $0x80  }
0x44: {  	[sflag:s22] =	ssyncset.done $0x0  }
0x45: {  	s17 =	sadd.s32 s8, s15;
	[sflag:s22] =	ssyncadd.s32 $0xFFFFFF80  }
0x46: {  	[tilespmem:s24], [sflag:$0x3] =	stream.linear.gather [hbm4b:s17+s0], $0x80, $0x38;
	[tilespmem:$0x1C180] =	vst v63  }
0x47: {  	_ =	swait.ge [sflag:s22], $0x80  }
0x48: {  	[sflag:s22] =	ssyncset.done $0x0  }
0x49: {  	s15 =	sadd.s32 s7, s15;
	[sflag:s22] =	ssyncadd.s32 $0xFFFFFF80  }
0x4a: {  	[tilespmem:s25], [sflag:$0x3] =	stream.linear.gather [hbm4b:s15+s0], $0x80, $0x38;
	[tilespmem:$0x1C180] =	vst v63  }
0x4b: {  	_ =	swait.ge [sflag:s22], $0x80  }
0x4c: {  	[sflag:s22] =	ssyncset.done $0x0  }
0x4d: {  	[sflag:s22] =	ssyncadd.s32 $0xFFFFFF80  }
0x4e: {  	[tilespmem:s21], [sflag:$0x1] =	stream.indirect.gather [hbm4b:s1+s26], $0x80, s23, s26, $0xb8;
	[tilespmem:$0x1C180] =	vst v63  }
0x4f: {  	_ = 	snop  }
0x50: {  	[tilespmem:s28], [sflag:$0x2] =	stream.indirect.gather [hbm4b:s2+s26], $0x80, s24, s26, $0xb8;
	[tilespmem:$0x1C180] =	vst v63  }
0x51: {  	_ =	swait.ge [sflag:s29], $0x4000  }
0x52: {  	[sflag:s29] =	ssyncset.done $0x0  }
0x53: {  	[sflag:s29] =	ssyncadd.s32 $0xFFFFC000  }
0x54: {  	_ =	swait.ge [sflag:s30], $0x4000  }
0x55: {  	[sflag:s30] =	ssyncset.done $0x0  }
0x56: {  	s15 =	simm.s32 $0x0;
	[sflag:s30] =	ssyncadd.s32 $0xFFFFC000  }
0x57: {  	v8 =	vld [tilespmem:s15+$0x18180]  }
0x58: {  	v12 =	vld [tilespmem:s15+$0x18190]  }
0x59: {  	v6 =	vld [tilespmem:s15+$0x181A0]  }
0x5a: {  	v5 =	vld [tilespmem:s15+$0x181B0]  }
0x5b: {  	v4 =	vld [tilespmem:s15+$0x181C0]  }
0x5c: {  	v3 =	vld [tilespmem:s15+$0x181D0]  }
0x5d: {  	v2 =	vld [tilespmem:s15+$0x181E0]  }
0x5e: {  	v1 =	vld [tilespmem:s15+$0x181F0]  }
0x5f: {  	v13 =	vld [tilespmem:s15+$0x14180]  }
0x60: {  	v14 =	vld [tilespmem:s15+$0x14190]  }
0x61: {  	v11 =	vld [tilespmem:s15+$0x141A0]  }
0x62: {  	v10 =	vld [tilespmem:s15+$0x141B0]  }
0x63: {  	v9 =	vld [tilespmem:s15+$0x141C0]  }
0x64: {  	v7 =	vld [tilespmem:s15+$0x141D0];
	v13 =	vmul.f32 v8, v13  }
0x65: {  	s16 =	simm.s32 $0x200;
	v12 =	vmul.f32 v12, v14;
	v8 =	vld [tilespmem:s15+$0x141E0]  }
.LBB2_5:
0x66: {  	s17 =	sshra.s32 s16, $0x2;
	p0 =	sne.s32 s16, $0xFE00;
	[tilespmem:s15+$0x14180] =	vst v13;
	v6 =	vmul.f32 v6, v11;
	v11 =	vld [tilespmem:s15+$0x141F0]  }
0x67: {  	v13 =	vld [tilespmem:s17+$0x18180];
	[tilespmem:s15+$0x14190] =	vst v12;
	v5 =	vmul.f32 v5, v10  }
0x68: {  	v12 =	vld [tilespmem:s17+$0x18190];
	[tilespmem:s15+$0x141A0] =	vst v6;
	v4 =	vmul.f32 v4, v9  }
0x69: {  	v6 =	vld [tilespmem:s17+$0x181A0];
	[tilespmem:s15+$0x141B0] =	vst v5;
	v3 =	vmul.f32 v3, v7  }
0x6a: {  	v5 =	vld [tilespmem:s17+$0x181B0];
	[tilespmem:s15+$0x141C0] =	vst v4;
	v2 =	vmul.f32 v2, v8  }
0x6b: {  	v4 =	vld [tilespmem:s17+$0x181C0];
	[tilespmem:s15+$0x141D0] =	vst v3;
	v1 =	vmul.f32 v1, v11  }
0x6c: {  	v3 =	vld [tilespmem:s17+$0x181D0];
	[tilespmem:s15+$0x141E0] =	vst v2  }
0x6d: {  	v2 =	vld [tilespmem:s17+$0x181E0];
	[tilespmem:s15+$0x141F0] =	vst v1;
	s15 =	smov.u32 s17  }
0x6e: {  	v1 =	vld [tilespmem:s15+$0x181F0]  }
0x6f: {  	v7 =	vld [tilespmem:s15+$0x14180]  }
0x70: {  	v8 =	vld [tilespmem:s15+$0x14190]  }
.Ltmp1:
0x71: {  	v11 =	vld [tilespmem:s15+$0x141A0];
	(pc) =	sbr.rel @p0 .LBB2_5-.Ltmp1, $4  }
0x72: {  	v10 =	vld [tilespmem:s15+$0x141B0]  }
0x73: {  	v9 =	vld [tilespmem:s15+$0x141C0]  }
0x74: {  	v13 =	vmul.f32 v13, v7;
	v7 =	vld [tilespmem:s15+$0x141D0]  }
0x75: {  	s16 =	sadd.s32 $0x200, s16;
	v12 =	vmul.f32 v12, v8;
	v8 =	vld [tilespmem:s15+$0x141E0]  }
0x76: {  	[tilespmem:s15+$0x14180] =	vst v13;
	v6 =	vmul.f32 v6, v11;
	v63 =	vld [tilespmem:s15+$0x141F0]  }
0x77: {  	[tilespmem:s15+$0x14190] =	vst v12;
	v5 =	vmul.f32 v5, v10  }
0x78: {  	[tilespmem:s15+$0x141A0] =	vst v6;
	v4 =	vmul.f32 v4, v9  }
0x79: {  	[tilespmem:s15+$0x141B0] =	vst v5;
	v3 =	vmul.f32 v3, v7  }
0x7a: {  	[tilespmem:s15+$0x141C0] =	vst v4;
	v2 =	vmul.f32 v2, v8  }
0x7b: {  	s5 =	sadd.s32 $0x1, s5;
	[tilespmem:s15+$0x141D0] =	vst v3;
	v1 =	vmul.f32 v1, v63  }
0x7c: {  	p0 =	sne.s32 s5, $0x4F;
	[tilespmem:s15+$0x141E0] =	vst v2  }
.Ltmp2:
0x7d: {  	[tilespmem:s15+$0x141F0] =	vst v1;
	(pc) =	sbr.rel @p0 .LBB2_4-.Ltmp2, $4  }
0x7e: {  	[spmem:s4] =	stream.indirect.scatter.add.f32 [tilespmem:s21], [sflag:$0x3], $0x80, s25, s26, $0xb8;
	[tilespmem:$0x1C180] =	vst v63  }
0x7f: {  	_ =	swait.ge [sflag:s22], $0x4000  }
0x80: {  	[sflag:s22] =	ssyncset.done $0x0  }
0x81: {  	[sflag:s22] =	ssyncadd.s32 $0xFFFFC000  }
0x82: {  	[bflag:$0x0] =	sbarrier.arrive $0xFFFF  }
0x83: {  	[tilespmem:s21], [sflag:$0x3] =	stream.linear.gather [spmem:s9], $0x4000, $0x38;
	[tilespmem:$0x1C180] =	vst v63  }
0x84: {  	_ =	swait.ge [sflag:s22], $0x4000  }
0x85: {  	[sflag:s22] =	ssyncset.done $0x0  }
0x86: {  	s0 =	rddreg [dreg:$0x6];
	[sflag:s22] =	ssyncadd.s32 $0xFFFFC000  }
0x87: {  	[hbm4b:s0+s6] =	stream.linear.scatter [tilespmem:s21], [sflag:$0x3], $0x4000, $0x38;
	[tilespmem:$0x1C180] =	vst v63  }
0x88: {  	_ =	swait.ge [sflag:s22], $0x4000  }
0x89: {  	[sflag:s22] =	ssyncset.done $0x0  }
0x8a: {  	[sflag:s22] =	ssyncadd.s32 $0xFFFFC000  }
0x8b: {  	[tilespmem:s21], [sflag:$0x3] =	stream.linear.gather [spmem:s10], $0x4000, $0x38;
	[tilespmem:$0x1C180] =	vst v63  }
0x8c: {  	_ =	swait.ge [sflag:s22], $0x4000  }
0x8d: {  	[sflag:s22] =	ssyncset.done $0x0  }
0x8e: {  	s16 =	rddreg [dreg:$0x7];
	[sflag:s22] =	ssyncadd.s32 $0xFFFFC000  }
0x8f: {  	[hbm4b:s16+s6] =	stream.linear.scatter [tilespmem:s21], [sflag:$0x3], $0x4000, $0x38;
	[tilespmem:$0x1C180] =	vst v63  }
0x90: {  	_ =	swait.ge [sflag:s22], $0x4000  }
0x91: {  	[sflag:s22] =	ssyncset.done $0x0  }
0x92: {  	[sflag:s22] =	ssyncadd.s32 $0xFFFFC000  }
0x93: {  	[tilespmem:s21], [sflag:$0x3] =	stream.linear.gather [spmem:s11], $0x4000, $0x38;
	[tilespmem:$0x1C180] =	vst v63  }
0x94: {  	_ =	swait.ge [sflag:s22], $0x4000  }
0x95: {  	[sflag:s22] =	ssyncset.done $0x0  }
0x96: {  	s17 =	rddreg [dreg:$0x8];
	[sflag:s22] =	ssyncadd.s32 $0xFFFFC000  }
0x97: {  	[hbm4b:s17+s6] =	stream.linear.scatter [tilespmem:s21], [sflag:$0x3], $0x4000, $0x38;
	[tilespmem:$0x1C180] =	vst v63  }
0x98: {  	_ =	swait.ge [sflag:s22], $0x4000  }
0x99: {  	[sflag:s22] =	ssyncset.done $0x0  }
0x9a: {  	[sflag:s22] =	ssyncadd.s32 $0xFFFFC000  }
0x9b: {  	[tilespmem:s21], [sflag:$0x3] =	stream.linear.gather [spmem:s12], $0x4000, $0x38;
	[tilespmem:$0x1C180] =	vst v63  }
0x9c: {  	_ =	swait.ge [sflag:s22], $0x4000  }
0x9d: {  	[sflag:s22] =	ssyncset.done $0x0  }
0x9e: {  	[sflag:s22] =	ssyncadd.s32 $0xFFFFC000  }
0x9f: {  	[hbm4b:s18+s6] =	stream.linear.scatter [tilespmem:s21], [sflag:$0x3], $0x4000, $0x38;
	[tilespmem:$0x1C180] =	vst v63  }
0xa0: {  	_ =	swait.ge [sflag:s22], $0x4000  }
0xa1: {  	[sflag:s22] =	ssyncset.done $0x0  }
0xa2: {  	[sflag:s22] =	ssyncadd.s32 $0xFFFFC000  }
0xa3: {  	[tilespmem:s21], [sflag:$0x3] =	stream.linear.gather [spmem:s13], $0x4000, $0x38;
	[tilespmem:$0x1C180] =	vst v63  }
0xa4: {  	s31 =	sadd.s32 $0x1, s31;
	_ =	swait.ge [sflag:s22], $0x4000  }
0xa5: {  	p0 =	sne.s32 s31, s20;
	[sflag:s22] =	ssyncset.done $0x0  }
.Ltmp3:
0xa6: {  	[sflag:s22] =	ssyncadd.s32 $0xFFFFC000;
	(pc) =	sbr.rel @p0 .LBB2_1-.Ltmp3, $4  }
0xa7: {  	[hbm4b:s19+s6] =	stream.linear.scatter [tilespmem:s21], [sflag:$0x3], $0x4000, $0x38;
	[tilespmem:$0x1C180] =	vst v63  }
0xa8: {  	_ =	swait.ge [sflag:s22], $0x4000  }
0xa9: {  	[sflag:s22] =	ssyncset.done $0x0  }
0xaa: {  	[sflag:s22] =	ssyncadd.s32 $0xFFFFC000  }
0xab: {  	_ =	sfence.sel $0x180000  }
0xac: {  	[bflag:$0x0] =	sbarrier.arrive $0xFFFF  }
0xad: {  	_ =	strace $0x90000047  }
0xae: {  	s0 =	stileid.u32;
	[bflag:$0x2] =	sbarrier.arrive $0xFFFF  }
0xaf: {  	p0 =	sne.s32 s0, $0x0;
	s0 =	rddreg [dreg:$0x5]  }
0xb0: {  	s0 =	sadd.s32 @!p0 $0x100000, s0  }
0xb1: {  	[sflag:s0] =	ssyncadd.tile.s32 @!p0 $0x1;
	_ =	shalt  }
.Lfunc_end2:
_tile_overlayer_lowered:
.L_overlay_start_2:
0xb2: {  	(tag) =	ssettag $0x2  }
0xb3: {  	s0 =	rddreg [dreg:$0x0];
	s2 =	stileid.u32  }
0xb4: {  	s1 =	rddreg [dreg:$0x1];
	p0 =	sne.s32 s2, $0x0  }
0xb5: {  	s3 =	rddreg [dreg:$0x2];
	[bflag:$0x3] =	sbarrier.arrive $0xFFFF;
	s2 =	simm.s32 @!p0 $0x1C03  }
0xb6: {  	[timem:s3], [sflag:s2] =	dma.local @!p0 [hbm:s0], s1  }
0xb7: {  	s0 =	simm.s32 @!p0 $0x3  }
0xb8: {  	_ =	swait.ge @!p0 [sflag:s0], s1  }
0xb9: {  	s1 =	ssub.s32 @!p0 $0x0, s1;
	[sflag:s0] =	ssyncset.done @!p0 $0x0  }
0xba: {  	[sflag:s0] =	ssyncadd.s32 @!p0 s1  }
0xbb: {  	[bflag:$0x3] =	sbarrier.arrive $0xFFFF  }
0xbc: {  	_ =	shalt  }

</sc_bundles>
